<compile_context>
chip_gen: v7x
topology: tpu7x:2x2x1
jax: 0.10.2.dev20260603
libtpu: 0.0.44.dev20260713+nightly
codegen_flags: <defaults>
</compile_context>

<pallas_src>
import functools

import jax
import jax.numpy as jnp
from jax import lax
from jax.experimental import pallas as pl
from jax.experimental.pallas import tpu as pltpu
from jax.experimental.pallas import tpu_sc as plsc

N_CORES = 2
N_SUBCORES = 16
NW = N_CORES * N_SUBCORES
LANES = 16
BATCH = 16384
D = 32
N_USERS = 1000000
N_BUSINESS = 100000
BPW = BATCH // NW
CHUNK = 128
NCHUNK = BPW // CHUNK
GRP = 8
SCORE_BLK = 65536


def _score_body(x_ref, w_ref, o_ref):
    o_ref[...] = jnp.sum(x_ref[...] * w_ref[...], axis=0)


@functools.lru_cache(maxsize=None)
def _score_call(n):
    return pl.pallas_call(
        _score_body,
        grid=(pl.cdiv(n, SCORE_BLK),),
        in_specs=[
            pl.BlockSpec((D, SCORE_BLK), lambda i: (0, i)),
            pl.BlockSpec((D, 1), lambda i: (0, 0)),
        ],
        out_specs=pl.BlockSpec((SCORE_BLK,), lambda i: (i,)),
        out_shape=jax.ShapeDtypeStruct((n,), jnp.float32),
    )


def _sc_gather_body_full(users_hbm, business_hbm, su_hbm, sb_hbm, bias_hbm,
                         out_hbm, uidx_v, bidx_v, uhi_v, bhi_v, su_v, sb_v,
                         bias_v, out_v, sem):
    wid = lax.axis_index("s") * N_CORES + lax.axis_index("c")
    base = wid * NCHUNK

    pltpu.sync_copy(users_hbm.at[pl.ds(base, NCHUNK)], uidx_v)
    pltpu.sync_copy(business_hbm.at[pl.ds(base, NCHUNK)], bidx_v)
    pltpu.sync_copy(bias_hbm, bias_v)

    for j in range(NCHUNK):
        for o in range(0, CHUNK, LANES):
            uhi_v[j, pl.ds(o, LANES)] = uidx_v[j, pl.ds(o, LANES)] >> 3
            bhi_v[j, pl.ds(o, LANES)] = bidx_v[j, pl.ds(o, LANES)] >> 3

    handles = []
    for j in range(NCHUNK):
        handles.append(pltpu.async_copy(
            su_hbm.at[uhi_v.at[j]], su_v.at[pl.ds(j * CHUNK, CHUNK)], sem))
        handles.append(pltpu.async_copy(
            sb_hbm.at[bhi_v.at[j]], sb_v.at[pl.ds(j * CHUNK, CHUNK)], sem))
    for h in handles:
        h.wait()

    bias_vec = bias_v[...]
    lane = lax.iota(jnp.int32, LANES)
    seven = jnp.full((LANES,), 7, jnp.int32)

    def group(g, _):
        j = g // (CHUNK // LANES)
        o = (g % (CHUNK // LANES)) * LANES
        i_vec = g * LANES + lane
        ulo = uidx_v[j, pl.ds(o, LANES)] & seven
        blo = bidx_v[j, pl.ds(o, LANES)] & seven
        us = plsc.load_gather(su_v, [i_vec, ulo])
        bs = plsc.load_gather(sb_v, [i_vec, blo])
        out_v[pl.ds(g * LANES, LANES)] = us + bs + bias_vec
        return _

    lax.fori_loop(0, BPW // LANES, group, 0)

    pltpu.sync_copy(out_v, out_hbm.at[pl.ds(wid * BPW, BPW)])


@functools.lru_cache(maxsize=None)
def _sc_gather_call():
    return pl.kernel(
        _sc_gather_body_full,
        out_type=jax.ShapeDtypeStruct((BATCH,), jnp.float32),
        mesh=plsc.VectorSubcoreMesh(core_axis_name="c", subcore_axis_name="s",
                                    num_cores=N_CORES,
                                    num_subcores=N_SUBCORES),
        compiler_params=pltpu.CompilerParams(needs_layout_passes=False,
                                             use_tc_tiling_on_sc=False),
        scratch_types=[
            pltpu.VMEM((NCHUNK, CHUNK), jnp.int32),
            pltpu.VMEM((NCHUNK, CHUNK), jnp.int32),
            pltpu.VMEM((NCHUNK, CHUNK), jnp.int32),
            pltpu.VMEM((NCHUNK, CHUNK), jnp.int32),
            pltpu.VMEM((BPW, GRP), jnp.float32),
            pltpu.VMEM((BPW, GRP), jnp.float32),
            pltpu.VMEM((LANES,), jnp.float32),
            pltpu.VMEM((BPW,), jnp.float32),
            pltpu.SemaphoreType.DMA,
        ],
    )


def kernel(users, business, user_table, business_table, W, b):
    users2 = users.astype(jnp.int32).reshape(NW * NCHUNK, CHUNK)
    business2 = business.astype(jnp.int32).reshape(NW * NCHUNK, CHUNK)
    wu = W[0, :D].reshape(D, 1)
    wb = W[0, D:].reshape(D, 1)
    su = _score_call(N_USERS)(user_table.T, wu)
    sb = _score_call(N_BUSINESS)(business_table.T, wb)
    su2 = su.reshape(N_USERS // GRP, GRP)
    sb2 = sb.reshape(N_BUSINESS // GRP, GRP)
    b16 = jnp.broadcast_to(b.reshape(()), (LANES,))
    out = _sc_gather_call()(users2, business2, su2, sb2, b16)
    return out.reshape(BATCH, 1)

# --- scband reference (transcript-rebuilt; emitter-appended) ---
"""Pipeline reference for scband-rec-sys-model-31705448579764 (READ-ONLY COPY).

The authoritative reference and input builder live on the scoring server;
editing this copy changes nothing except your own understanding.
"""

import jax, jax.numpy as jnp
import numpy as np

N_USERS = 1000000
N_BUSINESS = 100000
EMBED_DIM = 32
BATCH = 16384

def setup_inputs(seed: int = 0) -> dict:
    key = jax.random.key(seed)
    k1, k2, k3, k4, k5, k6 = jax.random.split(key, 6)
    users = jax.random.randint(k1, (BATCH,), 0, N_USERS, dtype=jnp.int64) if jax.config.jax_enable_x64 else jax.random.randint(k1, (BATCH,), 0, N_USERS).astype(jnp.int32)
    business = jax.random.randint(k2, (BATCH,), 0, N_BUSINESS).astype(users.dtype)
    user_table = jax.random.normal(k3, (N_USERS, EMBED_DIM), dtype=jnp.float32) * 0.02
    business_table = jax.random.normal(k4, (N_BUSINESS, EMBED_DIM), dtype=jnp.float32) * 0.02
    W = jax.random.normal(k5, (1, 2 * EMBED_DIM), dtype=jnp.float32) * (1.0 / np.sqrt(2 * EMBED_DIM))
    b = jax.random.normal(k6, (1,), dtype=jnp.float32) * 0.01
    return {"users": users, "business": business, "user_table": user_table, "business_table": business_table, "W": W, "b": b}

def reference(users, business, user_table, business_table, W, b):
    user_embeds = jnp.take(user_table, users, axis=0)
    business_embeds = jnp.take(business_table, business, axis=0)
    output = jnp.concatenate([user_embeds, business_embeds], axis=1)
    output = output @ W.T + b
    return output

if __name__ == "__main__":
    import jax
    _d = setup_inputs()
    print(jax.jit(kernel)(*tuple(_d.values())))

</pallas_src>

<mosaic_0001>
#map = affine_map<(d0, d1) -> (0, 0)>
#map1 = affine_map<(d0, d1) -> (0)>
module attributes {stable_mosaic.version = 14 : i64} {
  func.func @_sc_gather_body_full(%arg0: i32, %arg1: i32, %arg2: memref<128x128xi32, #tpu.memory_space<hbm>>, %arg3: memref<128x128xi32, #tpu.memory_space<hbm>>, %arg4: memref<125000x8xf32, #tpu.memory_space<hbm>>, %arg5: memref<12500x8xf32, #tpu.memory_space<hbm>>, %arg6: memref<16xf32, #tpu.memory_space<hbm>>, %arg7: memref<16384xf32, #tpu.memory_space<hbm>>, %arg8: memref<4x128xi32, #tpu.memory_space<vmem>>, %arg9: memref<4x128xi32, #tpu.memory_space<vmem>>, %arg10: memref<4x128xi32, #tpu.memory_space<vmem>>, %arg11: memref<4x128xi32, #tpu.memory_space<vmem>>, %arg12: memref<512x8xf32, #tpu.memory_space<vmem>>, %arg13: memref<512x8xf32, #tpu.memory_space<vmem>>, %arg14: memref<16xf32, #tpu.memory_space<vmem>>, %arg15: memref<512xf32, #tpu.memory_space<vmem>>, %arg16: memref<!tpu.dma_semaphore, #tpu.memory_space<semaphore_mem>>) attributes {dimension_semantics = [#tpu.dimension_semantics<core_parallel>, #tpu.dimension_semantics<subcore_parallel>], iteration_bounds = array<i64: 2, 16>, scalar_prefetch = 0 : i64, scratch_operands = 9 : i64, tpu.core_type = #tpu.core_type<sc_vector_subcore>, window_params = [{transform_indices = #map}, {transform_indices = #map}, {transform_indices = #map}, {transform_indices = #map}, {transform_indices = #map1}, {transform_indices = #map1}]} {
    %mul3A = arith.constant 2 : i32
    %mul3A_0 = arith.muli %arg1, %mul3A : i32
    %add3A = arith.addi %mul3A_0, %arg0 : i32
    %mul3A_1 = arith.constant 4 : i32
    %mul3A_2 = arith.muli %add3A, %mul3A_1 : i32
    "tpu.region"() ({
      %run_scoped3A = tpu.sem_alloc : memref<!tpu.dma_semaphore, #tpu.memory_space<semaphore_mem>>
      %dma_start3A_872 = arith.constant 0 : i32
      %dma_start3A_873 = tpu.memref_slice %arg2[%mul3A_2, %dma_start3A_872] : memref<128x128xi32, #tpu.memory_space<hbm>> -> memref<4x128xi32, #tpu.memory_space<hbm>>
      %dma_start3A_874 = arith.constant 0 : i32
      %dma_start3A_875 = tpu.memref_slice %arg2[%mul3A_2, %dma_start3A_874] : memref<128x128xi32, #tpu.memory_space<hbm>> -> memref<4x128xi32, #tpu.memory_space<hbm>>
      tpu.enqueue_dma source(%dma_start3A_875 : memref<4x128xi32, #tpu.memory_space<hbm>>) target(%arg8 : memref<4x128xi32, #tpu.memory_space<vmem>>) target_semaphore(%run_scoped3A : memref<!tpu.dma_semaphore, #tpu.memory_space<semaphore_mem>>)
      %dma_wait3A_876 = arith.constant 0 : i32
      %dma_wait3A_877 = tpu.memref_slice %arg2[%mul3A_2, %dma_wait3A_876] : memref<128x128xi32, #tpu.memory_space<hbm>> -> memref<4x128xi32, #tpu.memory_space<hbm>>
      %dma_wait3A_878 = arith.constant 0 : i32
      %dma_wait3A_879 = tpu.memref_slice %arg2[%mul3A_2, %dma_wait3A_878] : memref<128x128xi32, #tpu.memory_space<hbm>> -> memref<4x128xi32, #tpu.memory_space<hbm>>
      tpu.wait_dma2 semaphore(%run_scoped3A : memref<!tpu.dma_semaphore, #tpu.memory_space<semaphore_mem>>) src(%dma_wait3A_879 : memref<4x128xi32, #tpu.memory_space<hbm>>) dst(%arg8 : memref<4x128xi32, #tpu.memory_space<vmem>>)
      tpu.yield
    }) : () -> ()
    "tpu.region"() ({
      %run_scoped3A = tpu.sem_alloc : memref<!tpu.dma_semaphore, #tpu.memory_space<semaphore_mem>>
      %dma_start3A_872 = arith.constant 0 : i32
      %dma_start3A_873 = tpu.memref_slice %arg3[%mul3A_2, %dma_start3A_872] : memref<128x128xi32, #tpu.memory_space<hbm>> -> memref<4x128xi32, #tpu.memory_space<hbm>>
      %dma_start3A_874 = arith.constant 0 : i32
      %dma_start3A_875 = tpu.memref_slice %arg3[%mul3A_2, %dma_start3A_874] : memref<128x128xi32, #tpu.memory_space<hbm>> -> memref<4x128xi32, #tpu.memory_space<hbm>>
      tpu.enqueue_dma source(%dma_start3A_875 : memref<4x128xi32, #tpu.memory_space<hbm>>) target(%arg9 : memref<4x128xi32, #tpu.memory_space<vmem>>) target_semaphore(%run_scoped3A : memref<!tpu.dma_semaphore, #tpu.memory_space<semaphore_mem>>)
      %dma_wait3A_876 = arith.constant 0 : i32
      %dma_wait3A_877 = tpu.memref_slice %arg3[%mul3A_2, %dma_wait3A_876] : memref<128x128xi32, #tpu.memory_space<hbm>> -> memref<4x128xi32, #tpu.memory_space<hbm>>
      %dma_wait3A_878 = arith.constant 0 : i32
      %dma_wait3A_879 = tpu.memref_slice %arg3[%mul3A_2, %dma_wait3A_878] : memref<128x128xi32, #tpu.memory_space<hbm>> -> memref<4x128xi32, #tpu.memory_space<hbm>>
      tpu.wait_dma2 semaphore(%run_scoped3A : memref<!tpu.dma_semaphore, #tpu.memory_space<semaphore_mem>>) src(%dma_wait3A_879 : memref<4x128xi32, #tpu.memory_space<hbm>>) dst(%arg9 : memref<4x128xi32, #tpu.memory_space<vmem>>)
      tpu.yield
    }) : () -> ()
    "tpu.region"() ({
      %run_scoped3A = tpu.sem_alloc : memref<!tpu.dma_semaphore, #tpu.memory_space<semaphore_mem>>
      tpu.enqueue_dma source(%arg6 : memref<16xf32, #tpu.memory_space<hbm>>) target(%arg14 : memref<16xf32, #tpu.memory_space<vmem>>) target_semaphore(%run_scoped3A : memref<!tpu.dma_semaphore, #tpu.memory_space<semaphore_mem>>)
      tpu.wait_dma2 semaphore(%run_scoped3A : memref<!tpu.dma_semaphore, #tpu.memory_space<semaphore_mem>>) src(%arg6 : memref<16xf32, #tpu.memory_space<hbm>>) dst(%arg14 : memref<16xf32, #tpu.memory_space<vmem>>)
      tpu.yield
    }) : () -> ()
    %get3A = arith.constant 0 : i32
    %get3A_3 = arith.index_cast %get3A : i32 to index
    %get3A_4 = arith.constant 0 : index
    %get3A_5 = tpu.vector_load %arg8[%get3A_3, %get3A_4] {strides = array<i32>} : memref<4x128xi32, #tpu.memory_space<vmem>>, vector<16xi32>,
    %shift_right_arithmetic3A = arith.constant 3 : i32
    %shift_right_arithmetic3A_6 = vector.broadcast %shift_right_arithmetic3A : i32 to vector<16xi32>
    %shift_right_arithmetic3A_7 = arith.shrsi %get3A_5, %shift_right_arithmetic3A_6 : vector<16xi32>
    %swap3A = arith.constant 0 : i32
    %swap3A_8 = arith.index_cast %swap3A : i32 to index
    %swap3A_9 = arith.constant 0 : index
    %swap3A_10 = tpu.vector_load %arg10[%swap3A_8, %swap3A_9] {strides = array<i32>} : memref<4x128xi32, #tpu.memory_space<vmem>>, vector<16xi32>,
    tpu.vector_store %arg10[%swap3A_8, %swap3A_9], %shift_right_arithmetic3A_7 {strides = array<i32>} : memref<4x128xi32, #tpu.memory_space<vmem>>, vector<16xi32>,
    %get3A_11 = arith.constant 0 : i32
    %get3A_12 = arith.index_cast %get3A_11 : i32 to index
    %get3A_13 = arith.constant 0 : index
    %get3A_14 = tpu.vector_load %arg9[%get3A_12, %get3A_13] {strides = array<i32>} : memref<4x128xi32, #tpu.memory_space<vmem>>, vector<16xi32>,
    %shift_right_arithmetic3A_15 = arith.constant 3 : i32
    %shift_right_arithmetic3A_16 = vector.broadcast %shift_right_arithmetic3A_15 : i32 to vector<16xi32>
    %shift_right_arithmetic3A_17 = arith.shrsi %get3A_14, %shift_right_arithmetic3A_16 : vector<16xi32>
    %swap3A_18 = arith.constant 0 : i32
    %swap3A_19 = arith.index_cast %swap3A_18 : i32 to index
    %swap3A_20 = arith.constant 0 : index
    %swap3A_21 = tpu.vector_load %arg11[%swap3A_19, %swap3A_20] {strides = array<i32>} : memref<4x128xi32, #tpu.memory_space<vmem>>, vector<16xi32>,
    tpu.vector_store %arg11[%swap3A_19, %swap3A_20], %shift_right_arithmetic3A_17 {strides = array<i32>} : memref<4x128xi32, #tpu.memory_space<vmem>>, vector<16xi32>,
    %get3A_22 = arith.constant 0 : i32
    %get3A_23 = arith.index_cast %get3A_22 : i32 to index
    %get3A_24 = arith.constant 16 : index
    %get3A_25 = tpu.vector_load %arg8[%get3A_23, %get3A_24] {strides = array<i32>} : memref<4x128xi32, #tpu.memory_space<vmem>>, vector<16xi32>,
    %shift_right_arithmetic3A_26 = arith.constant 3 : i32
    %shift_right_arithmetic3A_27 = vector.broadcast %shift_right_arithmetic3A_26 : i32 to vector<16xi32>
    %shift_right_arithmetic3A_28 = arith.shrsi %get3A_25, %shift_right_arithmetic3A_27 : vector<16xi32>
    %swap3A_29 = arith.constant 0 : i32
    %swap3A_30 = arith.index_cast %swap3A_29 : i32 to index
    %swap3A_31 = arith.constant 16 : index
    %swap3A_32 = tpu.vector_load %arg10[%swap3A_30, %swap3A_31] {strides = array<i32>} : memref<4x128xi32, #tpu.memory_space<vmem>>, vector<16xi32>,
    tpu.vector_store %arg10[%swap3A_30, %swap3A_31], %shift_right_arithmetic3A_28 {strides = array<i32>} : memref<4x128xi32, #tpu.memory_space<vmem>>, vector<16xi32>,
    %get3A_33 = arith.constant 0 : i32
    %get3A_34 = arith.index_cast %get3A_33 : i32 to index
    %get3A_35 = arith.constant 16 : index
    %get3A_36 = tpu.vector_load %arg9[%get3A_34, %get3A_35] {strides = array<i32>} : memref<4x128xi32, #tpu.memory_space<vmem>>, vector<16xi32>,
    %shift_right_arithmetic3A_37 = arith.constant 3 : i32
    %shift_right_arithmetic3A_38 = vector.broadcast %shift_right_arithmetic3A_37 : i32 to vector<16xi32>
    %shift_right_arithmetic3A_39 = arith.shrsi %get3A_36, %shift_right_arithmetic3A_38 : vector<16xi32>
    %swap3A_40 = arith.constant 0 : i32
    %swap3A_41 = arith.index_cast %swap3A_40 : i32 to index
    %swap3A_42 = arith.constant 16 : index
    %swap3A_43 = tpu.vector_load %arg11[%swap3A_41, %swap3A_42] {strides = array<i32>} : memref<4x128xi32, #tpu.memory_space<vmem>>, vector<16xi32>,
    tpu.vector_store %arg11[%swap3A_41, %swap3A_42], %shift_right_arithmetic3A_39 {strides = array<i32>} : memref<4x128xi32, #tpu.memory_space<vmem>>, vector<16xi32>,
    %get3A_44 = arith.constant 0 : i32
    %get3A_45 = arith.index_cast %get3A_44 : i32 to index
    %get3A_46 = arith.constant 32 : index
    %get3A_47 = tpu.vector_load %arg8[%get3A_45, %get3A_46] {strides = array<i32>} : memref<4x128xi32, #tpu.memory_space<vmem>>, vector<16xi32>,
    %shift_right_arithmetic3A_48 = arith.constant 3 : i32
    %shift_right_arithmetic3A_49 = vector.broadcast %shift_right_arithmetic3A_48 : i32 to vector<16xi32>
    %shift_right_arithmetic3A_50 = arith.shrsi %get3A_47, %shift_right_arithmetic3A_49 : vector<16xi32>
    %swap3A_51 = arith.constant 0 : i32
    %swap3A_52 = arith.index_cast %swap3A_51 : i32 to index
    %swap3A_53 = arith.constant 32 : index
    %swap3A_54 = tpu.vector_load %arg10[%swap3A_52, %swap3A_53] {strides = array<i32>} : memref<4x128xi32, #tpu.memory_space<vmem>>, vector<16xi32>,
    tpu.vector_store %arg10[%swap3A_52, %swap3A_53], %shift_right_arithmetic3A_50 {strides = array<i32>} : memref<4x128xi32, #tpu.memory_space<vmem>>, vector<16xi32>,
    %get3A_55 = arith.constant 0 : i32
    %get3A_56 = arith.index_cast %get3A_55 : i32 to index
    %get3A_57 = arith.constant 32 : index
    %get3A_58 = tpu.vector_load %arg9[%get3A_56, %get3A_57] {strides = array<i32>} : memref<4x128xi32, #tpu.memory_space<vmem>>, vector<16xi32>,
    %shift_right_arithmetic3A_59 = arith.constant 3 : i32
    %shift_right_arithmetic3A_60 = vector.broadcast %shift_right_arithmetic3A_59 : i32 to vector<16xi32>
    %shift_right_arithmetic3A_61 = arith.shrsi %get3A_58, %shift_right_arithmetic3A_60 : vector<16xi32>
    %swap3A_62 = arith.constant 0 : i32
    %swap3A_63 = arith.index_cast %swap3A_62 : i32 to index
    %swap3A_64 = arith.constant 32 : index
    %swap3A_65 = tpu.vector_load %arg11[%swap3A_63, %swap3A_64] {strides = array<i32>} : memref<4x128xi32, #tpu.memory_space<vmem>>, vector<16xi32>,
    tpu.vector_store %arg11[%swap3A_63, %swap3A_64], %shift_right_arithmetic3A_61 {strides = array<i32>} : memref<4x128xi32, #tpu.memory_space<vmem>>, vector<16xi32>,
    %get3A_66 = arith.constant 0 : i32
    %get3A_67 = arith.index_cast %get3A_66 : i32 to index
    %get3A_68 = arith.constant 48 : index
    %get3A_69 = tpu.vector_load %arg8[%get3A_67, %get3A_68] {strides = array<i32>} : memref<4x128xi32, #tpu.memory_space<vmem>>, vector<16xi32>,
    %shift_right_arithmetic3A_70 = arith.constant 3 : i32
    %shift_right_arithmetic3A_71 = vector.broadcast %shift_right_arithmetic3A_70 : i32 to vector<16xi32>
    %shift_right_arithmetic3A_72 = arith.shrsi %get3A_69, %shift_right_arithmetic3A_71 : vector<16xi32>
    %swap3A_73 = arith.constant 0 : i32
    %swap3A_74 = arith.index_cast %swap3A_73 : i32 to index
    %swap3A_75 = arith.constant 48 : index
    %swap3A_76 = tpu.vector_load %arg10[%swap3A_74, %swap3A_75] {strides = array<i32>} : memref<4x128xi32, #tpu.memory_space<vmem>>, vector<16xi32>,
    tpu.vector_store %arg10[%swap3A_74, %swap3A_75], %shift_right_arithmetic3A_72 {strides = array<i32>} : memref<4x128xi32, #tpu.memory_space<vmem>>, vector<16xi32>,
    %get3A_77 = arith.constant 0 : i32
    %get3A_78 = arith.index_cast %get3A_77 : i32 to index
    %get3A_79 = arith.constant 48 : index
    %get3A_80 = tpu.vector_load %arg9[%get3A_78, %get3A_79] {strides = array<i32>} : memref<4x128xi32, #tpu.memory_space<vmem>>, vector<16xi32>,
    %shift_right_arithmetic3A_81 = arith.constant 3 : i32
    %shift_right_arithmetic3A_82 = vector.broadcast %shift_right_arithmetic3A_81 : i32 to vector<16xi32>
    %shift_right_arithmetic3A_83 = arith.shrsi %get3A_80, %shift_right_arithmetic3A_82 : vector<16xi32>
    %swap3A_84 = arith.constant 0 : i32
    %swap3A_85 = arith.index_cast %swap3A_84 : i32 to index
    %swap3A_86 = arith.constant 48 : index
    %swap3A_87 = tpu.vector_load %arg11[%swap3A_85, %swap3A_86] {strides = array<i32>} : memref<4x128xi32, #tpu.memory_space<vmem>>, vector<16xi32>,
    tpu.vector_store %arg11[%swap3A_85, %swap3A_86], %shift_right_arithmetic3A_83 {strides = array<i32>} : memref<4x128xi32, #tpu.memory_space<vmem>>, vector<16xi32>,
    %get3A_88 = arith.constant 0 : i32
    %get3A_89 = arith.index_cast %get3A_88 : i32 to index
    %get3A_90 = arith.constant 64 : index
    %get3A_91 = tpu.vector_load %arg8[%get3A_89, %get3A_90] {strides = array<i32>} : memref<4x128xi32, #tpu.memory_space<vmem>>, vector<16xi32>,
    %shift_right_arithmetic3A_92 = arith.constant 3 : i32
    %shift_right_arithmetic3A_93 = vector.broadcast %shift_right_arithmetic3A_92 : i32 to vector<16xi32>
    %shift_right_arithmetic3A_94 = arith.shrsi %get3A_91, %shift_right_arithmetic3A_93 : vector<16xi32>
    %swap3A_95 = arith.constant 0 : i32
    %swap3A_96 = arith.index_cast %swap3A_95 : i32 to index
    %swap3A_97 = arith.constant 64 : index
    %swap3A_98 = tpu.vector_load %arg10[%swap3A_96, %swap3A_97] {strides = array<i32>} : memref<4x128xi32, #tpu.memory_space<vmem>>, vector<16xi32>,
    tpu.vector_store %arg10[%swap3A_96, %swap3A_97], %shift_right_arithmetic3A_94 {strides = array<i32>} : memref<4x128xi32, #tpu.memory_space<vmem>>, vector<16xi32>,
    %get3A_99 = arith.constant 0 : i32
    %get3A_100 = arith.index_cast %get3A_99 : i32 to index
    %get3A_101 = arith.constant 64 : index
    %get3A_102 = tpu.vector_load %arg9[%get3A_100, %get3A_101] {strides = array<i32>} : memref<4x128xi32, #tpu.memory_space<vmem>>, vector<16xi32>,
    %shift_right_arithmetic3A_103 = arith.constant 3 : i32
    %shift_right_arithmetic3A_104 = vector.broadcast %shift_right_arithmetic3A_103 : i32 to vector<16xi32>
    %shift_right_arithmetic3A_105 = arith.shrsi %get3A_102, %shift_right_arithmetic3A_104 : vector<16xi32>
    %swap3A_106 = arith.constant 0 : i32
    %swap3A_107 = arith.index_cast %swap3A_106 : i32 to index
    %swap3A_108 = arith.constant 64 : index
    %swap3A_109 = tpu.vector_load %arg11[%swap3A_107, %swap3A_108] {strides = array<i32>} : memref<4x128xi32, #tpu.memory_space<vmem>>, vector<16xi32>,
    tpu.vector_store %arg11[%swap3A_107, %swap3A_108], %shift_right_arithmetic3A_105 {strides = array<i32>} : memref<4x128xi32, #tpu.memory_space<vmem>>, vector<16xi32>,
    %get3A_110 = arith.constant 0 : i32
    %get3A_111 = arith.index_cast %get3A_110 : i32 to index
    %get3A_112 = arith.constant 80 : index
    %get3A_113 = tpu.vector_load %arg8[%get3A_111, %get3A_112] {strides = array<i32>} : memref<4x128xi32, #tpu.memory_space<vmem>>, vector<16xi32>,
    %shift_right_arithmetic3A_114 = arith.constant 3 : i32
    %shift_right_arithmetic3A_115 = vector.broadcast %shift_right_arithmetic3A_114 : i32 to vector<16xi32>
    %shift_right_arithmetic3A_116 = arith.shrsi %get3A_113, %shift_right_arithmetic3A_115 : vector<16xi32>
    %swap3A_117 = arith.constant 0 : i32
    %swap3A_118 = arith.index_cast %swap3A_117 : i32 to index
    %swap3A_119 = arith.constant 80 : index
    %swap3A_120 = tpu.vector_load %arg10[%swap3A_118, %swap3A_119] {strides = array<i32>} : memref<4x128xi32, #tpu.memory_space<vmem>>, vector<16xi32>,
    tpu.vector_store %arg10[%swap3A_118, %swap3A_119], %shift_right_arithmetic3A_116 {strides = array<i32>} : memref<4x128xi32, #tpu.memory_space<vmem>>, vector<16xi32>,
    %get3A_121 = arith.constant 0 : i32
    %get3A_122 = arith.index_cast %get3A_121 : i32 to index
    %get3A_123 = arith.constant 80 : index
    %get3A_124 = tpu.vector_load %arg9[%get3A_122, %get3A_123] {strides = array<i32>} : memref<4x128xi32, #tpu.memory_space<vmem>>, vector<16xi32>,
    %shift_right_arithmetic3A_125 = arith.constant 3 : i32
    %shift_right_arithmetic3A_126 = vector.broadcast %shift_right_arithmetic3A_125 : i32 to vector<16xi32>
    %shift_right_arithmetic3A_127 = arith.shrsi %get3A_124, %shift_right_arithmetic3A_126 : vector<16xi32>
    %swap3A_128 = arith.constant 0 : i32
    %swap3A_129 = arith.index_cast %swap3A_128 : i32 to index
    %swap3A_130 = arith.constant 80 : index
    %swap3A_131 = tpu.vector_load %arg11[%swap3A_129, %swap3A_130] {strides = array<i32>} : memref<4x128xi32, #tpu.memory_space<vmem>>, vector<16xi32>,
    tpu.vector_store %arg11[%swap3A_129, %swap3A_130], %shift_right_arithmetic3A_127 {strides = array<i32>} : memref<4x128xi32, #tpu.memory_space<vmem>>, vector<16xi32>,
    %get3A_132 = arith.constant 0 : i32
    %get3A_133 = arith.index_cast %get3A_132 : i32 to index
    %get3A_134 = arith.constant 96 : index
    %get3A_135 = tpu.vector_load %arg8[%get3A_133, %get3A_134] {strides = array<i32>} : memref<4x128xi32, #tpu.memory_space<vmem>>, vector<16xi32>,
    %shift_right_arithmetic3A_136 = arith.constant 3 : i32
    %shift_right_arithmetic3A_137 = vector.broadcast %shift_right_arithmetic3A_136 : i32 to vector<16xi32>
    %shift_right_arithmetic3A_138 = arith.shrsi %get3A_135, %shift_right_arithmetic3A_137 : vector<16xi32>
    %swap3A_139 = arith.constant 0 : i32
    %swap3A_140 = arith.index_cast %swap3A_139 : i32 to index
    %swap3A_141 = arith.constant 96 : index
    %swap3A_142 = tpu.vector_load %arg10[%swap3A_140, %swap3A_141] {strides = array<i32>} : memref<4x128xi32, #tpu.memory_space<vmem>>, vector<16xi32>,
    tpu.vector_store %arg10[%swap3A_140, %swap3A_141], %shift_right_arithmetic3A_138 {strides = array<i32>} : memref<4x128xi32, #tpu.memory_space<vmem>>, vector<16xi32>,
    %get3A_143 = arith.constant 0 : i32
    %get3A_144 = arith.index_cast %get3A_143 : i32 to index
    %get3A_145 = arith.constant 96 : index
    %get3A_146 = tpu.vector_load %arg9[%get3A_144, %get3A_145] {strides = array<i32>} : memref<4x128xi32, #tpu.memory_space<vmem>>, vector<16xi32>,
    %shift_right_arithmetic3A_147 = arith.constant 3 : i32
    %shift_right_arithmetic3A_148 = vector.broadcast %shift_right_arithmetic3A_147 : i32 to vector<16xi32>
    %shift_right_arithmetic3A_149 = arith.shrsi %get3A_146, %shift_right_arithmetic3A_148 : vector<16xi32>
    %swap3A_150 = arith.constant 0 : i32
    %swap3A_151 = arith.index_cast %swap3A_150 : i32 to index
    %swap3A_152 = arith.constant 96 : index
    %swap3A_153 = tpu.vector_load %arg11[%swap3A_151, %swap3A_152] {strides = array<i32>} : memref<4x128xi32, #tpu.memory_space<vmem>>, vector<16xi32>,
    tpu.vector_store %arg11[%swap3A_151, %swap3A_152], %shift_right_arithmetic3A_149 {strides = array<i32>} : memref<4x128xi32, #tpu.memory_space<vmem>>, vector<16xi32>,
    %get3A_154 = arith.constant 0 : i32
    %get3A_155 = arith.index_cast %get3A_154 : i32 to index
    %get3A_156 = arith.constant 112 : index
    %get3A_157 = tpu.vector_load %arg8[%get3A_155, %get3A_156] {strides = array<i32>} : memref<4x128xi32, #tpu.memory_space<vmem>>, vector<16xi32>,
    %shift_right_arithmetic3A_158 = arith.constant 3 : i32
    %shift_right_arithmetic3A_159 = vector.broadcast %shift_right_arithmetic3A_158 : i32 to vector<16xi32>
    %shift_right_arithmetic3A_160 = arith.shrsi %get3A_157, %shift_right_arithmetic3A_159 : vector<16xi32>
    %swap3A_161 = arith.constant 0 : i32
    %swap3A_162 = arith.index_cast %swap3A_161 : i32 to index
    %swap3A_163 = arith.constant 112 : index
    %swap3A_164 = tpu.vector_load %arg10[%swap3A_162, %swap3A_163] {strides = array<i32>} : memref<4x128xi32, #tpu.memory_space<vmem>>, vector<16xi32>,
    tpu.vector_store %arg10[%swap3A_162, %swap3A_163], %shift_right_arithmetic3A_160 {strides = array<i32>} : memref<4x128xi32, #tpu.memory_space<vmem>>, vector<16xi32>,
    %get3A_165 = arith.constant 0 : i32
    %get3A_166 = arith.index_cast %get3A_165 : i32 to index
    %get3A_167 = arith.constant 112 : index
    %get3A_168 = tpu.vector_load %arg9[%get3A_166, %get3A_167] {strides = array<i32>} : memref<4x128xi32, #tpu.memory_space<vmem>>, vector<16xi32>,
    %shift_right_arithmetic3A_169 = arith.constant 3 : i32
    %shift_right_arithmetic3A_170 = vector.broadcast %shift_right_arithmetic3A_169 : i32 to vector<16xi32>
    %shift_right_arithmetic3A_171 = arith.shrsi %get3A_168, %shift_right_arithmetic3A_170 : vector<16xi32>
    %swap3A_172 = arith.constant 0 : i32
    %swap3A_173 = arith.index_cast %swap3A_172 : i32 to index
    %swap3A_174 = arith.constant 112 : index
    %swap3A_175 = tpu.vector_load %arg11[%swap3A_173, %swap3A_174] {strides = array<i32>} : memref<4x128xi32, #tpu.memory_space<vmem>>, vector<16xi32>,
    tpu.vector_store %arg11[%swap3A_173, %swap3A_174], %shift_right_arithmetic3A_171 {strides = array<i32>} : memref<4x128xi32, #tpu.memory_space<vmem>>, vector<16xi32>,
    %get3A_176 = arith.constant 1 : i32
    %get3A_177 = arith.index_cast %get3A_176 : i32 to index
    %get3A_178 = arith.constant 0 : index
    %get3A_179 = tpu.vector_load %arg8[%get3A_177, %get3A_178] {strides = array<i32>} : memref<4x128xi32, #tpu.memory_space<vmem>>, vector<16xi32>,
    %shift_right_arithmetic3A_180 = arith.constant 3 : i32
    %shift_right_arithmetic3A_181 = vector.broadcast %shift_right_arithmetic3A_180 : i32 to vector<16xi32>
    %shift_right_arithmetic3A_182 = arith.shrsi %get3A_179, %shift_right_arithmetic3A_181 : vector<16xi32>
    %swap3A_183 = arith.constant 1 : i32
    %swap3A_184 = arith.index_cast %swap3A_183 : i32 to index
    %swap3A_185 = arith.constant 0 : index
    %swap3A_186 = tpu.vector_load %arg10[%swap3A_184, %swap3A_185] {strides = array<i32>} : memref<4x128xi32, #tpu.memory_space<vmem>>, vector<16xi32>,
    tpu.vector_store %arg10[%swap3A_184, %swap3A_185], %shift_right_arithmetic3A_182 {strides = array<i32>} : memref<4x128xi32, #tpu.memory_space<vmem>>, vector<16xi32>,
    %get3A_187 = arith.constant 1 : i32
    %get3A_188 = arith.index_cast %get3A_187 : i32 to index
    %get3A_189 = arith.constant 0 : index
    %get3A_190 = tpu.vector_load %arg9[%get3A_188, %get3A_189] {strides = array<i32>} : memref<4x128xi32, #tpu.memory_space<vmem>>, vector<16xi32>,
    %shift_right_arithmetic3A_191 = arith.constant 3 : i32
    %shift_right_arithmetic3A_192 = vector.broadcast %shift_right_arithmetic3A_191 : i32 to vector<16xi32>
    %shift_right_arithmetic3A_193 = arith.shrsi %get3A_190, %shift_right_arithmetic3A_192 : vector<16xi32>
    %swap3A_194 = arith.constant 1 : i32
    %swap3A_195 = arith.index_cast %swap3A_194 : i32 to index
    %swap3A_196 = arith.constant 0 : index
    %swap3A_197 = tpu.vector_load %arg11[%swap3A_195, %swap3A_196] {strides = array<i32>} : memref<4x128xi32, #tpu.memory_space<vmem>>, vector<16xi32>,
    tpu.vector_store %arg11[%swap3A_195, %swap3A_196], %shift_right_arithmetic3A_193 {strides = array<i32>} : memref<4x128xi32, #tpu.memory_space<vmem>>, vector<16xi32>,
    %get3A_198 = arith.constant 1 : i32
    %get3A_199 = arith.index_cast %get3A_198 : i32 to index
    %get3A_200 = arith.constant 16 : index
    %get3A_201 = tpu.vector_load %arg8[%get3A_199, %get3A_200] {strides = array<i32>} : memref<4x128xi32, #tpu.memory_space<vmem>>, vector<16xi32>,
    %shift_right_arithmetic3A_202 = arith.constant 3 : i32
    %shift_right_arithmetic3A_203 = vector.broadcast %shift_right_arithmetic3A_202 : i32 to vector<16xi32>
    %shift_right_arithmetic3A_204 = arith.shrsi %get3A_201, %shift_right_arithmetic3A_203 : vector<16xi32>
    %swap3A_205 = arith.constant 1 : i32
    %swap3A_206 = arith.index_cast %swap3A_205 : i32 to index
    %swap3A_207 = arith.constant 16 : index
    %swap3A_208 = tpu.vector_load %arg10[%swap3A_206, %swap3A_207] {strides = array<i32>} : memref<4x128xi32, #tpu.memory_space<vmem>>, vector<16xi32>,
    tpu.vector_store %arg10[%swap3A_206, %swap3A_207], %shift_right_arithmetic3A_204 {strides = array<i32>} : memref<4x128xi32, #tpu.memory_space<vmem>>, vector<16xi32>,
    %get3A_209 = arith.constant 1 : i32
    %get3A_210 = arith.index_cast %get3A_209 : i32 to index
    %get3A_211 = arith.constant 16 : index
    %get3A_212 = tpu.vector_load %arg9[%get3A_210, %get3A_211] {strides = array<i32>} : memref<4x128xi32, #tpu.memory_space<vmem>>, vector<16xi32>,
    %shift_right_arithmetic3A_213 = arith.constant 3 : i32
    %shift_right_arithmetic3A_214 = vector.broadcast %shift_right_arithmetic3A_213 : i32 to vector<16xi32>
    %shift_right_arithmetic3A_215 = arith.shrsi %get3A_212, %shift_right_arithmetic3A_214 : vector<16xi32>
    %swap3A_216 = arith.constant 1 : i32
    %swap3A_217 = arith.index_cast %swap3A_216 : i32 to index
    %swap3A_218 = arith.constant 16 : index
    %swap3A_219 = tpu.vector_load %arg11[%swap3A_217, %swap3A_218] {strides = array<i32>} : memref<4x128xi32, #tpu.memory_space<vmem>>, vector<16xi32>,
    tpu.vector_store %arg11[%swap3A_217, %swap3A_218], %shift_right_arithmetic3A_215 {strides = array<i32>} : memref<4x128xi32, #tpu.memory_space<vmem>>, vector<16xi32>,
    %get3A_220 = arith.constant 1 : i32
    %get3A_221 = arith.index_cast %get3A_220 : i32 to index
    %get3A_222 = arith.constant 32 : index
    %get3A_223 = tpu.vector_load %arg8[%get3A_221, %get3A_222] {strides = array<i32>} : memref<4x128xi32, #tpu.memory_space<vmem>>, vector<16xi32>,
    %shift_right_arithmetic3A_224 = arith.constant 3 : i32
    %shift_right_arithmetic3A_225 = vector.broadcast %shift_right_arithmetic3A_224 : i32 to vector<16xi32>
    %shift_right_arithmetic3A_226 = arith.shrsi %get3A_223, %shift_right_arithmetic3A_225 : vector<16xi32>
    %swap3A_227 = arith.constant 1 : i32
    %swap3A_228 = arith.index_cast %swap3A_227 : i32 to index
    %swap3A_229 = arith.constant 32 : index
    %swap3A_230 = tpu.vector_load %arg10[%swap3A_228, %swap3A_229] {strides = array<i32>} : memref<4x128xi32, #tpu.memory_space<vmem>>, vector<16xi32>,
    tpu.vector_store %arg10[%swap3A_228, %swap3A_229], %shift_right_arithmetic3A_226 {strides = array<i32>} : memref<4x128xi32, #tpu.memory_space<vmem>>, vector<16xi32>,
    %get3A_231 = arith.constant 1 : i32
    %get3A_232 = arith.index_cast %get3A_231 : i32 to index
    %get3A_233 = arith.constant 32 : index
    %get3A_234 = tpu.vector_load %arg9[%get3A_232, %get3A_233] {strides = array<i32>} : memref<4x128xi32, #tpu.memory_space<vmem>>, vector<16xi32>,
    %shift_right_arithmetic3A_235 = arith.constant 3 : i32
    %shift_right_arithmetic3A_236 = vector.broadcast %shift_right_arithmetic3A_235 : i32 to vector<16xi32>
    %shift_right_arithmetic3A_237 = arith.shrsi %get3A_234, %shift_right_arithmetic3A_236 : vector<16xi32>
    %swap3A_238 = arith.constant 1 : i32
    %swap3A_239 = arith.index_cast %swap3A_238 : i32 to index
    %swap3A_240 = arith.constant 32 : index
    %swap3A_241 = tpu.vector_load %arg11[%swap3A_239, %swap3A_240] {strides = array<i32>} : memref<4x128xi32, #tpu.memory_space<vmem>>, vector<16xi32>,
    tpu.vector_store %arg11[%swap3A_239, %swap3A_240], %shift_right_arithmetic3A_237 {strides = array<i32>} : memref<4x128xi32, #tpu.memory_space<vmem>>, vector<16xi32>,
    %get3A_242 = arith.constant 1 : i32
    %get3A_243 = arith.index_cast %get3A_242 : i32 to index
    %get3A_244 = arith.constant 48 : index
    %get3A_245 = tpu.vector_load %arg8[%get3A_243, %get3A_244] {strides = array<i32>} : memref<4x128xi32, #tpu.memory_space<vmem>>, vector<16xi32>,
    %shift_right_arithmetic3A_246 = arith.constant 3 : i32
    %shift_right_arithmetic3A_247 = vector.broadcast %shift_right_arithmetic3A_246 : i32 to vector<16xi32>
    %shift_right_arithmetic3A_248 = arith.shrsi %get3A_245, %shift_right_arithmetic3A_247 : vector<16xi32>
    %swap3A_249 = arith.constant 1 : i32
    %swap3A_250 = arith.index_cast %swap3A_249 : i32 to index
    %swap3A_251 = arith.constant 48 : index
    %swap3A_252 = tpu.vector_load %arg10[%swap3A_250, %swap3A_251] {strides = array<i32>} : memref<4x128xi32, #tpu.memory_space<vmem>>, vector<16xi32>,
    tpu.vector_store %arg10[%swap3A_250, %swap3A_251], %shift_right_arithmetic3A_248 {strides = array<i32>} : memref<4x128xi32, #tpu.memory_space<vmem>>, vector<16xi32>,
    %get3A_253 = arith.constant 1 : i32
    %get3A_254 = arith.index_cast %get3A_253 : i32 to index
    %get3A_255 = arith.constant 48 : index
    %get3A_256 = tpu.vector_load %arg9[%get3A_254, %get3A_255] {strides = array<i32>} : memref<4x128xi32, #tpu.memory_space<vmem>>, vector<16xi32>,
    %shift_right_arithmetic3A_257 = arith.constant 3 : i32
    %shift_right_arithmetic3A_258 = vector.broadcast %shift_right_arithmetic3A_257 : i32 to vector<16xi32>
    %shift_right_arithmetic3A_259 = arith.shrsi %get3A_256, %shift_right_arithmetic3A_258 : vector<16xi32>
    %swap3A_260 = arith.constant 1 : i32
    %swap3A_261 = arith.index_cast %swap3A_260 : i32 to index
    %swap3A_262 = arith.constant 48 : index
    %swap3A_263 = tpu.vector_load %arg11[%swap3A_261, %swap3A_262] {strides = array<i32>} : memref<4x128xi32, #tpu.memory_space<vmem>>, vector<16xi32>,
    tpu.vector_store %arg11[%swap3A_261, %swap3A_262], %shift_right_arithmetic3A_259 {strides = array<i32>} : memref<4x128xi32, #tpu.memory_space<vmem>>, vector<16xi32>,
    %get3A_264 = arith.constant 1 : i32
    %get3A_265 = arith.index_cast %get3A_264 : i32 to index
    %get3A_266 = arith.constant 64 : index
    %get3A_267 = tpu.vector_load %arg8[%get3A_265, %get3A_266] {strides = array<i32>} : memref<4x128xi32, #tpu.memory_space<vmem>>, vector<16xi32>,
    %shift_right_arithmetic3A_268 = arith.constant 3 : i32
    %shift_right_arithmetic3A_269 = vector.broadcast %shift_right_arithmetic3A_268 : i32 to vector<16xi32>
    %shift_right_arithmetic3A_270 = arith.shrsi %get3A_267, %shift_right_arithmetic3A_269 : vector<16xi32>
    %swap3A_271 = arith.constant 1 : i32
    %swap3A_272 = arith.index_cast %swap3A_271 : i32 to index
    %swap3A_273 = arith.constant 64 : index
    %swap3A_274 = tpu.vector_load %arg10[%swap3A_272, %swap3A_273] {strides = array<i32>} : memref<4x128xi32, #tpu.memory_space<vmem>>, vector<16xi32>,
    tpu.vector_store %arg10[%swap3A_272, %swap3A_273], %shift_right_arithmetic3A_270 {strides = array<i32>} : memref<4x128xi32, #tpu.memory_space<vmem>>, vector<16xi32>,
    %get3A_275 = arith.constant 1 : i32
    %get3A_276 = arith.index_cast %get3A_275 : i32 to index
    %get3A_277 = arith.constant 64 : index
    %get3A_278 = tpu.vector_load %arg9[%get3A_276, %get3A_277] {strides = array<i32>} : memref<4x128xi32, #tpu.memory_space<vmem>>, vector<16xi32>,
    %shift_right_arithmetic3A_279 = arith.constant 3 : i32
    %shift_right_arithmetic3A_280 = vector.broadcast %shift_right_arithmetic3A_279 : i32 to vector<16xi32>
    %shift_right_arithmetic3A_281 = arith.shrsi %get3A_278, %shift_right_arithmetic3A_280 : vector<16xi32>
    %swap3A_282 = arith.constant 1 : i32
    %swap3A_283 = arith.index_cast %swap3A_282 : i32 to index
    %swap3A_284 = arith.constant 64 : index
    %swap3A_285 = tpu.vector_load %arg11[%swap3A_283, %swap3A_284] {strides = array<i32>} : memref<4x128xi32, #tpu.memory_space<vmem>>, vector<16xi32>,
    tpu.vector_store %arg11[%swap3A_283, %swap3A_284], %shift_right_arithmetic3A_281 {strides = array<i32>} : memref<4x128xi32, #tpu.memory_space<vmem>>, vector<16xi32>,
    %get3A_286 = arith.constant 1 : i32
    %get3A_287 = arith.index_cast %get3A_286 : i32 to index
    %get3A_288 = arith.constant 80 : index
    %get3A_289 = tpu.vector_load %arg8[%get3A_287, %get3A_288] {strides = array<i32>} : memref<4x128xi32, #tpu.memory_space<vmem>>, vector<16xi32>,
    %shift_right_arithmetic3A_290 = arith.constant 3 : i32
    %shift_right_arithmetic3A_291 = vector.broadcast %shift_right_arithmetic3A_290 : i32 to vector<16xi32>
    %shift_right_arithmetic3A_292 = arith.shrsi %get3A_289, %shift_right_arithmetic3A_291 : vector<16xi32>
    %swap3A_293 = arith.constant 1 : i32
    %swap3A_294 = arith.index_cast %swap3A_293 : i32 to index
    %swap3A_295 = arith.constant 80 : index
    %swap3A_296 = tpu.vector_load %arg10[%swap3A_294, %swap3A_295] {strides = array<i32>} : memref<4x128xi32, #tpu.memory_space<vmem>>, vector<16xi32>,
    tpu.vector_store %arg10[%swap3A_294, %swap3A_295], %shift_right_arithmetic3A_292 {strides = array<i32>} : memref<4x128xi32, #tpu.memory_space<vmem>>, vector<16xi32>,
    %get3A_297 = arith.constant 1 : i32
    %get3A_298 = arith.index_cast %get3A_297 : i32 to index
    %get3A_299 = arith.constant 80 : index
    %get3A_300 = tpu.vector_load %arg9[%get3A_298, %get3A_299] {strides = array<i32>} : memref<4x128xi32, #tpu.memory_space<vmem>>, vector<16xi32>,
    %shift_right_arithmetic3A_301 = arith.constant 3 : i32
    %shift_right_arithmetic3A_302 = vector.broadcast %shift_right_arithmetic3A_301 : i32 to vector<16xi32>
    %shift_right_arithmetic3A_303 = arith.shrsi %get3A_300, %shift_right_arithmetic3A_302 : vector<16xi32>
    %swap3A_304 = arith.constant 1 : i32
    %swap3A_305 = arith.index_cast %swap3A_304 : i32 to index
    %swap3A_306 = arith.constant 80 : index
    %swap3A_307 = tpu.vector_load %arg11[%swap3A_305, %swap3A_306] {strides = array<i32>} : memref<4x128xi32, #tpu.memory_space<vmem>>, vector<16xi32>,
    tpu.vector_store %arg11[%swap3A_305, %swap3A_306], %shift_right_arithmetic3A_303 {strides = array<i32>} : memref<4x128xi32, #tpu.memory_space<vmem>>, vector<16xi32>,
    %get3A_308 = arith.constant 1 : i32
    %get3A_309 = arith.index_cast %get3A_308 : i32 to index
    %get3A_310 = arith.constant 96 : index
    %get3A_311 = tpu.vector_load %arg8[%get3A_309, %get3A_310] {strides = array<i32>} : memref<4x128xi32, #tpu.memory_space<vmem>>, vector<16xi32>,
    %shift_right_arithmetic3A_312 = arith.constant 3 : i32
    %shift_right_arithmetic3A_313 = vector.broadcast %shift_right_arithmetic3A_312 : i32 to vector<16xi32>
    %shift_right_arithmetic3A_314 = arith.shrsi %get3A_311, %shift_right_arithmetic3A_313 : vector<16xi32>
    %swap3A_315 = arith.constant 1 : i32
    %swap3A_316 = arith.index_cast %swap3A_315 : i32 to index
    %swap3A_317 = arith.constant 96 : index
    %swap3A_318 = tpu.vector_load %arg10[%swap3A_316, %swap3A_317] {strides = array<i32>} : memref<4x128xi32, #tpu.memory_space<vmem>>, vector<16xi32>,
    tpu.vector_store %arg10[%swap3A_316, %swap3A_317], %shift_right_arithmetic3A_314 {strides = array<i32>} : memref<4x128xi32, #tpu.memory_space<vmem>>, vector<16xi32>,
    %get3A_319 = arith.constant 1 : i32
    %get3A_320 = arith.index_cast %get3A_319 : i32 to index
    %get3A_321 = arith.constant 96 : index
    %get3A_322 = tpu.vector_load %arg9[%get3A_320, %get3A_321] {strides = array<i32>} : memref<4x128xi32, #tpu.memory_space<vmem>>, vector<16xi32>,
    %shift_right_arithmetic3A_323 = arith.constant 3 : i32
    %shift_right_arithmetic3A_324 = vector.broadcast %shift_right_arithmetic3A_323 : i32 to vector<16xi32>
    %shift_right_arithmetic3A_325 = arith.shrsi %get3A_322, %shift_right_arithmetic3A_324 : vector<16xi32>
    %swap3A_326 = arith.constant 1 : i32
    %swap3A_327 = arith.index_cast %swap3A_326 : i32 to index
    %swap3A_328 = arith.constant 96 : index
    %swap3A_329 = tpu.vector_load %arg11[%swap3A_327, %swap3A_328] {strides = array<i32>} : memref<4x128xi32, #tpu.memory_space<vmem>>, vector<16xi32>,
    tpu.vector_store %arg11[%swap3A_327, %swap3A_328], %shift_right_arithmetic3A_325 {strides = array<i32>} : memref<4x128xi32, #tpu.memory_space<vmem>>, vector<16xi32>,
    %get3A_330 = arith.constant 1 : i32
    %get3A_331 = arith.index_cast %get3A_330 : i32 to index
    %get3A_332 = arith.constant 112 : index
    %get3A_333 = tpu.vector_load %arg8[%get3A_331, %get3A_332] {strides = array<i32>} : memref<4x128xi32, #tpu.memory_space<vmem>>, vector<16xi32>,
    %shift_right_arithmetic3A_334 = arith.constant 3 : i32
    %shift_right_arithmetic3A_335 = vector.broadcast %shift_right_arithmetic3A_334 : i32 to vector<16xi32>
    %shift_right_arithmetic3A_336 = arith.shrsi %get3A_333, %shift_right_arithmetic3A_335 : vector<16xi32>
    %swap3A_337 = arith.constant 1 : i32
    %swap3A_338 = arith.index_cast %swap3A_337 : i32 to index
    %swap3A_339 = arith.constant 112 : index
    %swap3A_340 = tpu.vector_load %arg10[%swap3A_338, %swap3A_339] {strides = array<i32>} : memref<4x128xi32, #tpu.memory_space<vmem>>, vector<16xi32>,
    tpu.vector_store %arg10[%swap3A_338, %swap3A_339], %shift_right_arithmetic3A_336 {strides = array<i32>} : memref<4x128xi32, #tpu.memory_space<vmem>>, vector<16xi32>,
    %get3A_341 = arith.constant 1 : i32
    %get3A_342 = arith.index_cast %get3A_341 : i32 to index
    %get3A_343 = arith.constant 112 : index
    %get3A_344 = tpu.vector_load %arg9[%get3A_342, %get3A_343] {strides = array<i32>} : memref<4x128xi32, #tpu.memory_space<vmem>>, vector<16xi32>,
    %shift_right_arithmetic3A_345 = arith.constant 3 : i32
    %shift_right_arithmetic3A_346 = vector.broadcast %shift_right_arithmetic3A_345 : i32 to vector<16xi32>
    %shift_right_arithmetic3A_347 = arith.shrsi %get3A_344, %shift_right_arithmetic3A_346 : vector<16xi32>
    %swap3A_348 = arith.constant 1 : i32
    %swap3A_349 = arith.index_cast %swap3A_348 : i32 to index
    %swap3A_350 = arith.constant 112 : index
    %swap3A_351 = tpu.vector_load %arg11[%swap3A_349, %swap3A_350] {strides = array<i32>} : memref<4x128xi32, #tpu.memory_space<vmem>>, vector<16xi32>,
    tpu.vector_store %arg11[%swap3A_349, %swap3A_350], %shift_right_arithmetic3A_347 {strides = array<i32>} : memref<4x128xi32, #tpu.memory_space<vmem>>, vector<16xi32>,
    %get3A_352 = arith.constant 2 : i32
    %get3A_353 = arith.index_cast %get3A_352 : i32 to index
    %get3A_354 = arith.constant 0 : index
    %get3A_355 = tpu.vector_load %arg8[%get3A_353, %get3A_354] {strides = array<i32>} : memref<4x128xi32, #tpu.memory_space<vmem>>, vector<16xi32>,
    %shift_right_arithmetic3A_356 = arith.constant 3 : i32
    %shift_right_arithmetic3A_357 = vector.broadcast %shift_right_arithmetic3A_356 : i32 to vector<16xi32>
    %shift_right_arithmetic3A_358 = arith.shrsi %get3A_355, %shift_right_arithmetic3A_357 : vector<16xi32>
    %swap3A_359 = arith.constant 2 : i32
    %swap3A_360 = arith.index_cast %swap3A_359 : i32 to index
    %swap3A_361 = arith.constant 0 : index
    %swap3A_362 = tpu.vector_load %arg10[%swap3A_360, %swap3A_361] {strides = array<i32>} : memref<4x128xi32, #tpu.memory_space<vmem>>, vector<16xi32>,
    tpu.vector_store %arg10[%swap3A_360, %swap3A_361], %shift_right_arithmetic3A_358 {strides = array<i32>} : memref<4x128xi32, #tpu.memory_space<vmem>>, vector<16xi32>,
    %get3A_363 = arith.constant 2 : i32
    %get3A_364 = arith.index_cast %get3A_363 : i32 to index
    %get3A_365 = arith.constant 0 : index
    %get3A_366 = tpu.vector_load %arg9[%get3A_364, %get3A_365] {strides = array<i32>} : memref<4x128xi32, #tpu.memory_space<vmem>>, vector<16xi32>,
    %shift_right_arithmetic3A_367 = arith.constant 3 : i32
    %shift_right_arithmetic3A_368 = vector.broadcast %shift_right_arithmetic3A_367 : i32 to vector<16xi32>
    %shift_right_arithmetic3A_369 = arith.shrsi %get3A_366, %shift_right_arithmetic3A_368 : vector<16xi32>
    %swap3A_370 = arith.constant 2 : i32
    %swap3A_371 = arith.index_cast %swap3A_370 : i32 to index
    %swap3A_372 = arith.constant 0 : index
    %swap3A_373 = tpu.vector_load %arg11[%swap3A_371, %swap3A_372] {strides = array<i32>} : memref<4x128xi32, #tpu.memory_space<vmem>>, vector<16xi32>,
    tpu.vector_store %arg11[%swap3A_371, %swap3A_372], %shift_right_arithmetic3A_369 {strides = array<i32>} : memref<4x128xi32, #tpu.memory_space<vmem>>, vector<16xi32>,
    %get3A_374 = arith.constant 2 : i32
    %get3A_375 = arith.index_cast %get3A_374 : i32 to index
    %get3A_376 = arith.constant 16 : index
    %get3A_377 = tpu.vector_load %arg8[%get3A_375, %get3A_376] {strides = array<i32>} : memref<4x128xi32, #tpu.memory_space<vmem>>, vector<16xi32>,
    %shift_right_arithmetic3A_378 = arith.constant 3 : i32
    %shift_right_arithmetic3A_379 = vector.broadcast %shift_right_arithmetic3A_378 : i32 to vector<16xi32>
    %shift_right_arithmetic3A_380 = arith.shrsi %get3A_377, %shift_right_arithmetic3A_379 : vector<16xi32>
    %swap3A_381 = arith.constant 2 : i32
    %swap3A_382 = arith.index_cast %swap3A_381 : i32 to index
    %swap3A_383 = arith.constant 16 : index
    %swap3A_384 = tpu.vector_load %arg10[%swap3A_382, %swap3A_383] {strides = array<i32>} : memref<4x128xi32, #tpu.memory_space<vmem>>, vector<16xi32>,
    tpu.vector_store %arg10[%swap3A_382, %swap3A_383], %shift_right_arithmetic3A_380 {strides = array<i32>} : memref<4x128xi32, #tpu.memory_space<vmem>>, vector<16xi32>,
    %get3A_385 = arith.constant 2 : i32
    %get3A_386 = arith.index_cast %get3A_385 : i32 to index
    %get3A_387 = arith.constant 16 : index
    %get3A_388 = tpu.vector_load %arg9[%get3A_386, %get3A_387] {strides = array<i32>} : memref<4x128xi32, #tpu.memory_space<vmem>>, vector<16xi32>,
    %shift_right_arithmetic3A_389 = arith.constant 3 : i32
    %shift_right_arithmetic3A_390 = vector.broadcast %shift_right_arithmetic3A_389 : i32 to vector<16xi32>
    %shift_right_arithmetic3A_391 = arith.shrsi %get3A_388, %shift_right_arithmetic3A_390 : vector<16xi32>
    %swap3A_392 = arith.constant 2 : i32
    %swap3A_393 = arith.index_cast %swap3A_392 : i32 to index
    %swap3A_394 = arith.constant 16 : index
    %swap3A_395 = tpu.vector_load %arg11[%swap3A_393, %swap3A_394] {strides = array<i32>} : memref<4x128xi32, #tpu.memory_space<vmem>>, vector<16xi32>,
    tpu.vector_store %arg11[%swap3A_393, %swap3A_394], %shift_right_arithmetic3A_391 {strides = array<i32>} : memref<4x128xi32, #tpu.memory_space<vmem>>, vector<16xi32>,
    %get3A_396 = arith.constant 2 : i32
    %get3A_397 = arith.index_cast %get3A_396 : i32 to index
    %get3A_398 = arith.constant 32 : index
    %get3A_399 = tpu.vector_load %arg8[%get3A_397, %get3A_398] {strides = array<i32>} : memref<4x128xi32, #tpu.memory_space<vmem>>, vector<16xi32>,
    %shift_right_arithmetic3A_400 = arith.constant 3 : i32
    %shift_right_arithmetic3A_401 = vector.broadcast %shift_right_arithmetic3A_400 : i32 to vector<16xi32>
    %shift_right_arithmetic3A_402 = arith.shrsi %get3A_399, %shift_right_arithmetic3A_401 : vector<16xi32>
    %swap3A_403 = arith.constant 2 : i32
    %swap3A_404 = arith.index_cast %swap3A_403 : i32 to index
    %swap3A_405 = arith.constant 32 : index
    %swap3A_406 = tpu.vector_load %arg10[%swap3A_404, %swap3A_405] {strides = array<i32>} : memref<4x128xi32, #tpu.memory_space<vmem>>, vector<16xi32>,
    tpu.vector_store %arg10[%swap3A_404, %swap3A_405], %shift_right_arithmetic3A_402 {strides = array<i32>} : memref<4x128xi32, #tpu.memory_space<vmem>>, vector<16xi32>,
    %get3A_407 = arith.constant 2 : i32
    %get3A_408 = arith.index_cast %get3A_407 : i32 to index
    %get3A_409 = arith.constant 32 : index
    %get3A_410 = tpu.vector_load %arg9[%get3A_408, %get3A_409] {strides = array<i32>} : memref<4x128xi32, #tpu.memory_space<vmem>>, vector<16xi32>,
    %shift_right_arithmetic3A_411 = arith.constant 3 : i32
    %shift_right_arithmetic3A_412 = vector.broadcast %shift_right_arithmetic3A_411 : i32 to vector<16xi32>
    %shift_right_arithmetic3A_413 = arith.shrsi %get3A_410, %shift_right_arithmetic3A_412 : vector<16xi32>
    %swap3A_414 = arith.constant 2 : i32
    %swap3A_415 = arith.index_cast %swap3A_414 : i32 to index
    %swap3A_416 = arith.constant 32 : index
    %swap3A_417 = tpu.vector_load %arg11[%swap3A_415, %swap3A_416] {strides = array<i32>} : memref<4x128xi32, #tpu.memory_space<vmem>>, vector<16xi32>,
    tpu.vector_store %arg11[%swap3A_415, %swap3A_416], %shift_right_arithmetic3A_413 {strides = array<i32>} : memref<4x128xi32, #tpu.memory_space<vmem>>, vector<16xi32>,
    %get3A_418 = arith.constant 2 : i32
    %get3A_419 = arith.index_cast %get3A_418 : i32 to index
    %get3A_420 = arith.constant 48 : index
    %get3A_421 = tpu.vector_load %arg8[%get3A_419, %get3A_420] {strides = array<i32>} : memref<4x128xi32, #tpu.memory_space<vmem>>, vector<16xi32>,
    %shift_right_arithmetic3A_422 = arith.constant 3 : i32
    %shift_right_arithmetic3A_423 = vector.broadcast %shift_right_arithmetic3A_422 : i32 to vector<16xi32>
    %shift_right_arithmetic3A_424 = arith.shrsi %get3A_421, %shift_right_arithmetic3A_423 : vector<16xi32>
    %swap3A_425 = arith.constant 2 : i32
    %swap3A_426 = arith.index_cast %swap3A_425 : i32 to index
    %swap3A_427 = arith.constant 48 : index
    %swap3A_428 = tpu.vector_load %arg10[%swap3A_426, %swap3A_427] {strides = array<i32>} : memref<4x128xi32, #tpu.memory_space<vmem>>, vector<16xi32>,
    tpu.vector_store %arg10[%swap3A_426, %swap3A_427], %shift_right_arithmetic3A_424 {strides = array<i32>} : memref<4x128xi32, #tpu.memory_space<vmem>>, vector<16xi32>,
    %get3A_429 = arith.constant 2 : i32
    %get3A_430 = arith.index_cast %get3A_429 : i32 to index
    %get3A_431 = arith.constant 48 : index
    %get3A_432 = tpu.vector_load %arg9[%get3A_430, %get3A_431] {strides = array<i32>} : memref<4x128xi32, #tpu.memory_space<vmem>>, vector<16xi32>,
    %shift_right_arithmetic3A_433 = arith.constant 3 : i32
    %shift_right_arithmetic3A_434 = vector.broadcast %shift_right_arithmetic3A_433 : i32 to vector<16xi32>
    %shift_right_arithmetic3A_435 = arith.shrsi %get3A_432, %shift_right_arithmetic3A_434 : vector<16xi32>
    %swap3A_436 = arith.constant 2 : i32
    %swap3A_437 = arith.index_cast %swap3A_436 : i32 to index
    %swap3A_438 = arith.constant 48 : index
    %swap3A_439 = tpu.vector_load %arg11[%swap3A_437, %swap3A_438] {strides = array<i32>} : memref<4x128xi32, #tpu.memory_space<vmem>>, vector<16xi32>,
    tpu.vector_store %arg11[%swap3A_437, %swap3A_438], %shift_right_arithmetic3A_435 {strides = array<i32>} : memref<4x128xi32, #tpu.memory_space<vmem>>, vector<16xi32>,
    %get3A_440 = arith.constant 2 : i32
    %get3A_441 = arith.index_cast %get3A_440 : i32 to index
    %get3A_442 = arith.constant 64 : index
    %get3A_443 = tpu.vector_load %arg8[%get3A_441, %get3A_442] {strides = array<i32>} : memref<4x128xi32, #tpu.memory_space<vmem>>, vector<16xi32>,
    %shift_right_arithmetic3A_444 = arith.constant 3 : i32
    %shift_right_arithmetic3A_445 = vector.broadcast %shift_right_arithmetic3A_444 : i32 to vector<16xi32>
    %shift_right_arithmetic3A_446 = arith.shrsi %get3A_443, %shift_right_arithmetic3A_445 : vector<16xi32>
    %swap3A_447 = arith.constant 2 : i32
    %swap3A_448 = arith.index_cast %swap3A_447 : i32 to index
    %swap3A_449 = arith.constant 64 : index
    %swap3A_450 = tpu.vector_load %arg10[%swap3A_448, %swap3A_449] {strides = array<i32>} : memref<4x128xi32, #tpu.memory_space<vmem>>, vector<16xi32>,
    tpu.vector_store %arg10[%swap3A_448, %swap3A_449], %shift_right_arithmetic3A_446 {strides = array<i32>} : memref<4x128xi32, #tpu.memory_space<vmem>>, vector<16xi32>,
    %get3A_451 = arith.constant 2 : i32
    %get3A_452 = arith.index_cast %get3A_451 : i32 to index
    %get3A_453 = arith.constant 64 : index
    %get3A_454 = tpu.vector_load %arg9[%get3A_452, %get3A_453] {strides = array<i32>} : memref<4x128xi32, #tpu.memory_space<vmem>>, vector<16xi32>,
    %shift_right_arithmetic3A_455 = arith.constant 3 : i32
    %shift_right_arithmetic3A_456 = vector.broadcast %shift_right_arithmetic3A_455 : i32 to vector<16xi32>
    %shift_right_arithmetic3A_457 = arith.shrsi %get3A_454, %shift_right_arithmetic3A_456 : vector<16xi32>
    %swap3A_458 = arith.constant 2 : i32
    %swap3A_459 = arith.index_cast %swap3A_458 : i32 to index
    %swap3A_460 = arith.constant 64 : index
    %swap3A_461 = tpu.vector_load %arg11[%swap3A_459, %swap3A_460] {strides = array<i32>} : memref<4x128xi32, #tpu.memory_space<vmem>>, vector<16xi32>,
    tpu.vector_store %arg11[%swap3A_459, %swap3A_460], %shift_right_arithmetic3A_457 {strides = array<i32>} : memref<4x128xi32, #tpu.memory_space<vmem>>, vector<16xi32>,
    %get3A_462 = arith.constant 2 : i32
    %get3A_463 = arith.index_cast %get3A_462 : i32 to index
    %get3A_464 = arith.constant 80 : index
    %get3A_465 = tpu.vector_load %arg8[%get3A_463, %get3A_464] {strides = array<i32>} : memref<4x128xi32, #tpu.memory_space<vmem>>, vector<16xi32>,
    %shift_right_arithmetic3A_466 = arith.constant 3 : i32
    %shift_right_arithmetic3A_467 = vector.broadcast %shift_right_arithmetic3A_466 : i32 to vector<16xi32>
    %shift_right_arithmetic3A_468 = arith.shrsi %get3A_465, %shift_right_arithmetic3A_467 : vector<16xi32>
    %swap3A_469 = arith.constant 2 : i32
    %swap3A_470 = arith.index_cast %swap3A_469 : i32 to index
    %swap3A_471 = arith.constant 80 : index
    %swap3A_472 = tpu.vector_load %arg10[%swap3A_470, %swap3A_471] {strides = array<i32>} : memref<4x128xi32, #tpu.memory_space<vmem>>, vector<16xi32>,
    tpu.vector_store %arg10[%swap3A_470, %swap3A_471], %shift_right_arithmetic3A_468 {strides = array<i32>} : memref<4x128xi32, #tpu.memory_space<vmem>>, vector<16xi32>,
    %get3A_473 = arith.constant 2 : i32
    %get3A_474 = arith.index_cast %get3A_473 : i32 to index
    %get3A_475 = arith.constant 80 : index
    %get3A_476 = tpu.vector_load %arg9[%get3A_474, %get3A_475] {strides = array<i32>} : memref<4x128xi32, #tpu.memory_space<vmem>>, vector<16xi32>,
    %shift_right_arithmetic3A_477 = arith.constant 3 : i32
    %shift_right_arithmetic3A_478 = vector.broadcast %shift_right_arithmetic3A_477 : i32 to vector<16xi32>
    %shift_right_arithmetic3A_479 = arith.shrsi %get3A_476, %shift_right_arithmetic3A_478 : vector<16xi32>
    %swap3A_480 = arith.constant 2 : i32
    %swap3A_481 = arith.index_cast %swap3A_480 : i32 to index
    %swap3A_482 = arith.constant 80 : index
    %swap3A_483 = tpu.vector_load %arg11[%swap3A_481, %swap3A_482] {strides = array<i32>} : memref<4x128xi32, #tpu.memory_space<vmem>>, vector<16xi32>,
    tpu.vector_store %arg11[%swap3A_481, %swap3A_482], %shift_right_arithmetic3A_479 {strides = array<i32>} : memref<4x128xi32, #tpu.memory_space<vmem>>, vector<16xi32>,
    %get3A_484 = arith.constant 2 : i32
    %get3A_485 = arith.index_cast %get3A_484 : i32 to index
    %get3A_486 = arith.constant 96 : index
    %get3A_487 = tpu.vector_load %arg8[%get3A_485, %get3A_486] {strides = array<i32>} : memref<4x128xi32, #tpu.memory_space<vmem>>, vector<16xi32>,
    %shift_right_arithmetic3A_488 = arith.constant 3 : i32
    %shift_right_arithmetic3A_489 = vector.broadcast %shift_right_arithmetic3A_488 : i32 to vector<16xi32>
    %shift_right_arithmetic3A_490 = arith.shrsi %get3A_487, %shift_right_arithmetic3A_489 : vector<16xi32>
    %swap3A_491 = arith.constant 2 : i32
    %swap3A_492 = arith.index_cast %swap3A_491 : i32 to index
    %swap3A_493 = arith.constant 96 : index
    %swap3A_494 = tpu.vector_load %arg10[%swap3A_492, %swap3A_493] {strides = array<i32>} : memref<4x128xi32, #tpu.memory_space<vmem>>, vector<16xi32>,
    tpu.vector_store %arg10[%swap3A_492, %swap3A_493], %shift_right_arithmetic3A_490 {strides = array<i32>} : memref<4x128xi32, #tpu.memory_space<vmem>>, vector<16xi32>,
    %get3A_495 = arith.constant 2 : i32
    %get3A_496 = arith.index_cast %get3A_495 : i32 to index
    %get3A_497 = arith.constant 96 : index
    %get3A_498 = tpu.vector_load %arg9[%get3A_496, %get3A_497] {strides = array<i32>} : memref<4x128xi32, #tpu.memory_space<vmem>>, vector<16xi32>,
    %shift_right_arithmetic3A_499 = arith.constant 3 : i32
    %shift_right_arithmetic3A_500 = vector.broadcast %shift_right_arithmetic3A_499 : i32 to vector<16xi32>
    %shift_right_arithmetic3A_501 = arith.shrsi %get3A_498, %shift_right_arithmetic3A_500 : vector<16xi32>
    %swap3A_502 = arith.constant 2 : i32
    %swap3A_503 = arith.index_cast %swap3A_502 : i32 to index
    %swap3A_504 = arith.constant 96 : index
    %swap3A_505 = tpu.vector_load %arg11[%swap3A_503, %swap3A_504] {strides = array<i32>} : memref<4x128xi32, #tpu.memory_space<vmem>>, vector<16xi32>,
    tpu.vector_store %arg11[%swap3A_503, %swap3A_504], %shift_right_arithmetic3A_501 {strides = array<i32>} : memref<4x128xi32, #tpu.memory_space<vmem>>, vector<16xi32>,
    %get3A_506 = arith.constant 2 : i32
    %get3A_507 = arith.index_cast %get3A_506 : i32 to index
    %get3A_508 = arith.constant 112 : index
    %get3A_509 = tpu.vector_load %arg8[%get3A_507, %get3A_508] {strides = array<i32>} : memref<4x128xi32, #tpu.memory_space<vmem>>, vector<16xi32>,
    %shift_right_arithmetic3A_510 = arith.constant 3 : i32
    %shift_right_arithmetic3A_511 = vector.broadcast %shift_right_arithmetic3A_510 : i32 to vector<16xi32>
    %shift_right_arithmetic3A_512 = arith.shrsi %get3A_509, %shift_right_arithmetic3A_511 : vector<16xi32>
    %swap3A_513 = arith.constant 2 : i32
    %swap3A_514 = arith.index_cast %swap3A_513 : i32 to index
    %swap3A_515 = arith.constant 112 : index
    %swap3A_516 = tpu.vector_load %arg10[%swap3A_514, %swap3A_515] {strides = array<i32>} : memref<4x128xi32, #tpu.memory_space<vmem>>, vector<16xi32>,
    tpu.vector_store %arg10[%swap3A_514, %swap3A_515], %shift_right_arithmetic3A_512 {strides = array<i32>} : memref<4x128xi32, #tpu.memory_space<vmem>>, vector<16xi32>,
    %get3A_517 = arith.constant 2 : i32
    %get3A_518 = arith.index_cast %get3A_517 : i32 to index
    %get3A_519 = arith.constant 112 : index
    %get3A_520 = tpu.vector_load %arg9[%get3A_518, %get3A_519] {strides = array<i32>} : memref<4x128xi32, #tpu.memory_space<vmem>>, vector<16xi32>,
    %shift_right_arithmetic3A_521 = arith.constant 3 : i32
    %shift_right_arithmetic3A_522 = vector.broadcast %shift_right_arithmetic3A_521 : i32 to vector<16xi32>
    %shift_right_arithmetic3A_523 = arith.shrsi %get3A_520, %shift_right_arithmetic3A_522 : vector<16xi32>
    %swap3A_524 = arith.constant 2 : i32
    %swap3A_525 = arith.index_cast %swap3A_524 : i32 to index
    %swap3A_526 = arith.constant 112 : index
    %swap3A_527 = tpu.vector_load %arg11[%swap3A_525, %swap3A_526] {strides = array<i32>} : memref<4x128xi32, #tpu.memory_space<vmem>>, vector<16xi32>,
    tpu.vector_store %arg11[%swap3A_525, %swap3A_526], %shift_right_arithmetic3A_523 {strides = array<i32>} : memref<4x128xi32, #tpu.memory_space<vmem>>, vector<16xi32>,
    %get3A_528 = arith.constant 3 : i32
    %get3A_529 = arith.index_cast %get3A_528 : i32 to index
    %get3A_530 = arith.constant 0 : index
    %get3A_531 = tpu.vector_load %arg8[%get3A_529, %get3A_530] {strides = array<i32>} : memref<4x128xi32, #tpu.memory_space<vmem>>, vector<16xi32>,
    %shift_right_arithmetic3A_532 = arith.constant 3 : i32
    %shift_right_arithmetic3A_533 = vector.broadcast %shift_right_arithmetic3A_532 : i32 to vector<16xi32>
    %shift_right_arithmetic3A_534 = arith.shrsi %get3A_531, %shift_right_arithmetic3A_533 : vector<16xi32>
    %swap3A_535 = arith.constant 3 : i32
    %swap3A_536 = arith.index_cast %swap3A_535 : i32 to index
    %swap3A_537 = arith.constant 0 : index
    %swap3A_538 = tpu.vector_load %arg10[%swap3A_536, %swap3A_537] {strides = array<i32>} : memref<4x128xi32, #tpu.memory_space<vmem>>, vector<16xi32>,
    tpu.vector_store %arg10[%swap3A_536, %swap3A_537], %shift_right_arithmetic3A_534 {strides = array<i32>} : memref<4x128xi32, #tpu.memory_space<vmem>>, vector<16xi32>,
    %get3A_539 = arith.constant 3 : i32
    %get3A_540 = arith.index_cast %get3A_539 : i32 to index
    %get3A_541 = arith.constant 0 : index
    %get3A_542 = tpu.vector_load %arg9[%get3A_540, %get3A_541] {strides = array<i32>} : memref<4x128xi32, #tpu.memory_space<vmem>>, vector<16xi32>,
    %shift_right_arithmetic3A_543 = arith.constant 3 : i32
    %shift_right_arithmetic3A_544 = vector.broadcast %shift_right_arithmetic3A_543 : i32 to vector<16xi32>
    %shift_right_arithmetic3A_545 = arith.shrsi %get3A_542, %shift_right_arithmetic3A_544 : vector<16xi32>
    %swap3A_546 = arith.constant 3 : i32
    %swap3A_547 = arith.index_cast %swap3A_546 : i32 to index
    %swap3A_548 = arith.constant 0 : index
    %swap3A_549 = tpu.vector_load %arg11[%swap3A_547, %swap3A_548] {strides = array<i32>} : memref<4x128xi32, #tpu.memory_space<vmem>>, vector<16xi32>,
    tpu.vector_store %arg11[%swap3A_547, %swap3A_548], %shift_right_arithmetic3A_545 {strides = array<i32>} : memref<4x128xi32, #tpu.memory_space<vmem>>, vector<16xi32>,
    %get3A_550 = arith.constant 3 : i32
    %get3A_551 = arith.index_cast %get3A_550 : i32 to index
    %get3A_552 = arith.constant 16 : index
    %get3A_553 = tpu.vector_load %arg8[%get3A_551, %get3A_552] {strides = array<i32>} : memref<4x128xi32, #tpu.memory_space<vmem>>, vector<16xi32>,
    %shift_right_arithmetic3A_554 = arith.constant 3 : i32
    %shift_right_arithmetic3A_555 = vector.broadcast %shift_right_arithmetic3A_554 : i32 to vector<16xi32>
    %shift_right_arithmetic3A_556 = arith.shrsi %get3A_553, %shift_right_arithmetic3A_555 : vector<16xi32>
    %swap3A_557 = arith.constant 3 : i32
    %swap3A_558 = arith.index_cast %swap3A_557 : i32 to index
    %swap3A_559 = arith.constant 16 : index
    %swap3A_560 = tpu.vector_load %arg10[%swap3A_558, %swap3A_559] {strides = array<i32>} : memref<4x128xi32, #tpu.memory_space<vmem>>, vector<16xi32>,
    tpu.vector_store %arg10[%swap3A_558, %swap3A_559], %shift_right_arithmetic3A_556 {strides = array<i32>} : memref<4x128xi32, #tpu.memory_space<vmem>>, vector<16xi32>,
    %get3A_561 = arith.constant 3 : i32
    %get3A_562 = arith.index_cast %get3A_561 : i32 to index
    %get3A_563 = arith.constant 16 : index
    %get3A_564 = tpu.vector_load %arg9[%get3A_562, %get3A_563] {strides = array<i32>} : memref<4x128xi32, #tpu.memory_space<vmem>>, vector<16xi32>,
    %shift_right_arithmetic3A_565 = arith.constant 3 : i32
    %shift_right_arithmetic3A_566 = vector.broadcast %shift_right_arithmetic3A_565 : i32 to vector<16xi32>
    %shift_right_arithmetic3A_567 = arith.shrsi %get3A_564, %shift_right_arithmetic3A_566 : vector<16xi32>
    %swap3A_568 = arith.constant 3 : i32
    %swap3A_569 = arith.index_cast %swap3A_568 : i32 to index
    %swap3A_570 = arith.constant 16 : index
    %swap3A_571 = tpu.vector_load %arg11[%swap3A_569, %swap3A_570] {strides = array<i32>} : memref<4x128xi32, #tpu.memory_space<vmem>>, vector<16xi32>,
    tpu.vector_store %arg11[%swap3A_569, %swap3A_570], %shift_right_arithmetic3A_567 {strides = array<i32>} : memref<4x128xi32, #tpu.memory_space<vmem>>, vector<16xi32>,
    %get3A_572 = arith.constant 3 : i32
    %get3A_573 = arith.index_cast %get3A_572 : i32 to index
    %get3A_574 = arith.constant 32 : index
    %get3A_575 = tpu.vector_load %arg8[%get3A_573, %get3A_574] {strides = array<i32>} : memref<4x128xi32, #tpu.memory_space<vmem>>, vector<16xi32>,
    %shift_right_arithmetic3A_576 = arith.constant 3 : i32
    %shift_right_arithmetic3A_577 = vector.broadcast %shift_right_arithmetic3A_576 : i32 to vector<16xi32>
    %shift_right_arithmetic3A_578 = arith.shrsi %get3A_575, %shift_right_arithmetic3A_577 : vector<16xi32>
    %swap3A_579 = arith.constant 3 : i32
    %swap3A_580 = arith.index_cast %swap3A_579 : i32 to index
    %swap3A_581 = arith.constant 32 : index
    %swap3A_582 = tpu.vector_load %arg10[%swap3A_580, %swap3A_581] {strides = array<i32>} : memref<4x128xi32, #tpu.memory_space<vmem>>, vector<16xi32>,
    tpu.vector_store %arg10[%swap3A_580, %swap3A_581], %shift_right_arithmetic3A_578 {strides = array<i32>} : memref<4x128xi32, #tpu.memory_space<vmem>>, vector<16xi32>,
    %get3A_583 = arith.constant 3 : i32
    %get3A_584 = arith.index_cast %get3A_583 : i32 to index
    %get3A_585 = arith.constant 32 : index
    %get3A_586 = tpu.vector_load %arg9[%get3A_584, %get3A_585] {strides = array<i32>} : memref<4x128xi32, #tpu.memory_space<vmem>>, vector<16xi32>,
    %shift_right_arithmetic3A_587 = arith.constant 3 : i32
    %shift_right_arithmetic3A_588 = vector.broadcast %shift_right_arithmetic3A_587 : i32 to vector<16xi32>
    %shift_right_arithmetic3A_589 = arith.shrsi %get3A_586, %shift_right_arithmetic3A_588 : vector<16xi32>
    %swap3A_590 = arith.constant 3 : i32
    %swap3A_591 = arith.index_cast %swap3A_590 : i32 to index
    %swap3A_592 = arith.constant 32 : index
    %swap3A_593 = tpu.vector_load %arg11[%swap3A_591, %swap3A_592] {strides = array<i32>} : memref<4x128xi32, #tpu.memory_space<vmem>>, vector<16xi32>,
    tpu.vector_store %arg11[%swap3A_591, %swap3A_592], %shift_right_arithmetic3A_589 {strides = array<i32>} : memref<4x128xi32, #tpu.memory_space<vmem>>, vector<16xi32>,
    %get3A_594 = arith.constant 3 : i32
    %get3A_595 = arith.index_cast %get3A_594 : i32 to index
    %get3A_596 = arith.constant 48 : index
    %get3A_597 = tpu.vector_load %arg8[%get3A_595, %get3A_596] {strides = array<i32>} : memref<4x128xi32, #tpu.memory_space<vmem>>, vector<16xi32>,
    %shift_right_arithmetic3A_598 = arith.constant 3 : i32
    %shift_right_arithmetic3A_599 = vector.broadcast %shift_right_arithmetic3A_598 : i32 to vector<16xi32>
    %shift_right_arithmetic3A_600 = arith.shrsi %get3A_597, %shift_right_arithmetic3A_599 : vector<16xi32>
    %swap3A_601 = arith.constant 3 : i32
    %swap3A_602 = arith.index_cast %swap3A_601 : i32 to index
    %swap3A_603 = arith.constant 48 : index
    %swap3A_604 = tpu.vector_load %arg10[%swap3A_602, %swap3A_603] {strides = array<i32>} : memref<4x128xi32, #tpu.memory_space<vmem>>, vector<16xi32>,
    tpu.vector_store %arg10[%swap3A_602, %swap3A_603], %shift_right_arithmetic3A_600 {strides = array<i32>} : memref<4x128xi32, #tpu.memory_space<vmem>>, vector<16xi32>,
    %get3A_605 = arith.constant 3 : i32
    %get3A_606 = arith.index_cast %get3A_605 : i32 to index
    %get3A_607 = arith.constant 48 : index
    %get3A_608 = tpu.vector_load %arg9[%get3A_606, %get3A_607] {strides = array<i32>} : memref<4x128xi32, #tpu.memory_space<vmem>>, vector<16xi32>,
    %shift_right_arithmetic3A_609 = arith.constant 3 : i32
    %shift_right_arithmetic3A_610 = vector.broadcast %shift_right_arithmetic3A_609 : i32 to vector<16xi32>
    %shift_right_arithmetic3A_611 = arith.shrsi %get3A_608, %shift_right_arithmetic3A_610 : vector<16xi32>
    %swap3A_612 = arith.constant 3 : i32
    %swap3A_613 = arith.index_cast %swap3A_612 : i32 to index
    %swap3A_614 = arith.constant 48 : index
    %swap3A_615 = tpu.vector_load %arg11[%swap3A_613, %swap3A_614] {strides = array<i32>} : memref<4x128xi32, #tpu.memory_space<vmem>>, vector<16xi32>,
    tpu.vector_store %arg11[%swap3A_613, %swap3A_614], %shift_right_arithmetic3A_611 {strides = array<i32>} : memref<4x128xi32, #tpu.memory_space<vmem>>, vector<16xi32>,
    %get3A_616 = arith.constant 3 : i32
    %get3A_617 = arith.index_cast %get3A_616 : i32 to index
    %get3A_618 = arith.constant 64 : index
    %get3A_619 = tpu.vector_load %arg8[%get3A_617, %get3A_618] {strides = array<i32>} : memref<4x128xi32, #tpu.memory_space<vmem>>, vector<16xi32>,
    %shift_right_arithmetic3A_620 = arith.constant 3 : i32
    %shift_right_arithmetic3A_621 = vector.broadcast %shift_right_arithmetic3A_620 : i32 to vector<16xi32>
    %shift_right_arithmetic3A_622 = arith.shrsi %get3A_619, %shift_right_arithmetic3A_621 : vector<16xi32>
    %swap3A_623 = arith.constant 3 : i32
    %swap3A_624 = arith.index_cast %swap3A_623 : i32 to index
    %swap3A_625 = arith.constant 64 : index
    %swap3A_626 = tpu.vector_load %arg10[%swap3A_624, %swap3A_625] {strides = array<i32>} : memref<4x128xi32, #tpu.memory_space<vmem>>, vector<16xi32>,
    tpu.vector_store %arg10[%swap3A_624, %swap3A_625], %shift_right_arithmetic3A_622 {strides = array<i32>} : memref<4x128xi32, #tpu.memory_space<vmem>>, vector<16xi32>,
    %get3A_627 = arith.constant 3 : i32
    %get3A_628 = arith.index_cast %get3A_627 : i32 to index
    %get3A_629 = arith.constant 64 : index
    %get3A_630 = tpu.vector_load %arg9[%get3A_628, %get3A_629] {strides = array<i32>} : memref<4x128xi32, #tpu.memory_space<vmem>>, vector<16xi32>,
    %shift_right_arithmetic3A_631 = arith.constant 3 : i32
    %shift_right_arithmetic3A_632 = vector.broadcast %shift_right_arithmetic3A_631 : i32 to vector<16xi32>
    %shift_right_arithmetic3A_633 = arith.shrsi %get3A_630, %shift_right_arithmetic3A_632 : vector<16xi32>
    %swap3A_634 = arith.constant 3 : i32
    %swap3A_635 = arith.index_cast %swap3A_634 : i32 to index
    %swap3A_636 = arith.constant 64 : index
    %swap3A_637 = tpu.vector_load %arg11[%swap3A_635, %swap3A_636] {strides = array<i32>} : memref<4x128xi32, #tpu.memory_space<vmem>>, vector<16xi32>,
    tpu.vector_store %arg11[%swap3A_635, %swap3A_636], %shift_right_arithmetic3A_633 {strides = array<i32>} : memref<4x128xi32, #tpu.memory_space<vmem>>, vector<16xi32>,
    %get3A_638 = arith.constant 3 : i32
    %get3A_639 = arith.index_cast %get3A_638 : i32 to index
    %get3A_640 = arith.constant 80 : index
    %get3A_641 = tpu.vector_load %arg8[%get3A_639, %get3A_640] {strides = array<i32>} : memref<4x128xi32, #tpu.memory_space<vmem>>, vector<16xi32>,
    %shift_right_arithmetic3A_642 = arith.constant 3 : i32
    %shift_right_arithmetic3A_643 = vector.broadcast %shift_right_arithmetic3A_642 : i32 to vector<16xi32>
    %shift_right_arithmetic3A_644 = arith.shrsi %get3A_641, %shift_right_arithmetic3A_643 : vector<16xi32>
    %swap3A_645 = arith.constant 3 : i32
    %swap3A_646 = arith.index_cast %swap3A_645 : i32 to index
    %swap3A_647 = arith.constant 80 : index
    %swap3A_648 = tpu.vector_load %arg10[%swap3A_646, %swap3A_647] {strides = array<i32>} : memref<4x128xi32, #tpu.memory_space<vmem>>, vector<16xi32>,
    tpu.vector_store %arg10[%swap3A_646, %swap3A_647], %shift_right_arithmetic3A_644 {strides = array<i32>} : memref<4x128xi32, #tpu.memory_space<vmem>>, vector<16xi32>,
    %get3A_649 = arith.constant 3 : i32
    %get3A_650 = arith.index_cast %get3A_649 : i32 to index
    %get3A_651 = arith.constant 80 : index
    %get3A_652 = tpu.vector_load %arg9[%get3A_650, %get3A_651] {strides = array<i32>} : memref<4x128xi32, #tpu.memory_space<vmem>>, vector<16xi32>,
    %shift_right_arithmetic3A_653 = arith.constant 3 : i32
    %shift_right_arithmetic3A_654 = vector.broadcast %shift_right_arithmetic3A_653 : i32 to vector<16xi32>
    %shift_right_arithmetic3A_655 = arith.shrsi %get3A_652, %shift_right_arithmetic3A_654 : vector<16xi32>
    %swap3A_656 = arith.constant 3 : i32
    %swap3A_657 = arith.index_cast %swap3A_656 : i32 to index
    %swap3A_658 = arith.constant 80 : index
    %swap3A_659 = tpu.vector_load %arg11[%swap3A_657, %swap3A_658] {strides = array<i32>} : memref<4x128xi32, #tpu.memory_space<vmem>>, vector<16xi32>,
    tpu.vector_store %arg11[%swap3A_657, %swap3A_658], %shift_right_arithmetic3A_655 {strides = array<i32>} : memref<4x128xi32, #tpu.memory_space<vmem>>, vector<16xi32>,
    %get3A_660 = arith.constant 3 : i32
    %get3A_661 = arith.index_cast %get3A_660 : i32 to index
    %get3A_662 = arith.constant 96 : index
    %get3A_663 = tpu.vector_load %arg8[%get3A_661, %get3A_662] {strides = array<i32>} : memref<4x128xi32, #tpu.memory_space<vmem>>, vector<16xi32>,
    %shift_right_arithmetic3A_664 = arith.constant 3 : i32
    %shift_right_arithmetic3A_665 = vector.broadcast %shift_right_arithmetic3A_664 : i32 to vector<16xi32>
    %shift_right_arithmetic3A_666 = arith.shrsi %get3A_663, %shift_right_arithmetic3A_665 : vector<16xi32>
    %swap3A_667 = arith.constant 3 : i32
    %swap3A_668 = arith.index_cast %swap3A_667 : i32 to index
    %swap3A_669 = arith.constant 96 : index
    %swap3A_670 = tpu.vector_load %arg10[%swap3A_668, %swap3A_669] {strides = array<i32>} : memref<4x128xi32, #tpu.memory_space<vmem>>, vector<16xi32>,
    tpu.vector_store %arg10[%swap3A_668, %swap3A_669], %shift_right_arithmetic3A_666 {strides = array<i32>} : memref<4x128xi32, #tpu.memory_space<vmem>>, vector<16xi32>,
    %get3A_671 = arith.constant 3 : i32
    %get3A_672 = arith.index_cast %get3A_671 : i32 to index
    %get3A_673 = arith.constant 96 : index
    %get3A_674 = tpu.vector_load %arg9[%get3A_672, %get3A_673] {strides = array<i32>} : memref<4x128xi32, #tpu.memory_space<vmem>>, vector<16xi32>,
    %shift_right_arithmetic3A_675 = arith.constant 3 : i32
    %shift_right_arithmetic3A_676 = vector.broadcast %shift_right_arithmetic3A_675 : i32 to vector<16xi32>
    %shift_right_arithmetic3A_677 = arith.shrsi %get3A_674, %shift_right_arithmetic3A_676 : vector<16xi32>
    %swap3A_678 = arith.constant 3 : i32
    %swap3A_679 = arith.index_cast %swap3A_678 : i32 to index
    %swap3A_680 = arith.constant 96 : index
    %swap3A_681 = tpu.vector_load %arg11[%swap3A_679, %swap3A_680] {strides = array<i32>} : memref<4x128xi32, #tpu.memory_space<vmem>>, vector<16xi32>,
    tpu.vector_store %arg11[%swap3A_679, %swap3A_680], %shift_right_arithmetic3A_677 {strides = array<i32>} : memref<4x128xi32, #tpu.memory_space<vmem>>, vector<16xi32>,
    %get3A_682 = arith.constant 3 : i32
    %get3A_683 = arith.index_cast %get3A_682 : i32 to index
    %get3A_684 = arith.constant 112 : index
    %get3A_685 = tpu.vector_load %arg8[%get3A_683, %get3A_684] {strides = array<i32>} : memref<4x128xi32, #tpu.memory_space<vmem>>, vector<16xi32>,
    %shift_right_arithmetic3A_686 = arith.constant 3 : i32
    %shift_right_arithmetic3A_687 = vector.broadcast %shift_right_arithmetic3A_686 : i32 to vector<16xi32>
    %shift_right_arithmetic3A_688 = arith.shrsi %get3A_685, %shift_right_arithmetic3A_687 : vector<16xi32>
    %swap3A_689 = arith.constant 3 : i32
    %swap3A_690 = arith.index_cast %swap3A_689 : i32 to index
    %swap3A_691 = arith.constant 112 : index
    %swap3A_692 = tpu.vector_load %arg10[%swap3A_690, %swap3A_691] {strides = array<i32>} : memref<4x128xi32, #tpu.memory_space<vmem>>, vector<16xi32>,
    tpu.vector_store %arg10[%swap3A_690, %swap3A_691], %shift_right_arithmetic3A_688 {strides = array<i32>} : memref<4x128xi32, #tpu.memory_space<vmem>>, vector<16xi32>,
    %get3A_693 = arith.constant 3 : i32
    %get3A_694 = arith.index_cast %get3A_693 : i32 to index
    %get3A_695 = arith.constant 112 : index
    %get3A_696 = tpu.vector_load %arg9[%get3A_694, %get3A_695] {strides = array<i32>} : memref<4x128xi32, #tpu.memory_space<vmem>>, vector<16xi32>,
    %shift_right_arithmetic3A_697 = arith.constant 3 : i32
    %shift_right_arithmetic3A_698 = vector.broadcast %shift_right_arithmetic3A_697 : i32 to vector<16xi32>
    %shift_right_arithmetic3A_699 = arith.shrsi %get3A_696, %shift_right_arithmetic3A_698 : vector<16xi32>
    %swap3A_700 = arith.constant 3 : i32
    %swap3A_701 = arith.index_cast %swap3A_700 : i32 to index
    %swap3A_702 = arith.constant 112 : index
    %swap3A_703 = tpu.vector_load %arg11[%swap3A_701, %swap3A_702] {strides = array<i32>} : memref<4x128xi32, #tpu.memory_space<vmem>>, vector<16xi32>,
    tpu.vector_store %arg11[%swap3A_701, %swap3A_702], %shift_right_arithmetic3A_699 {strides = array<i32>} : memref<4x128xi32, #tpu.memory_space<vmem>>, vector<16xi32>,
    %dma_start3A = arith.constant 0 : i32
    %dma_start3A_704 = arith.constant 0 : i32
    %dma_start3A_705 = arith.constant 0 : i32
    %dma_start3A_706 = tpu.memref_slice %arg12[%dma_start3A_704, %dma_start3A_705] : memref<512x8xf32, #tpu.memory_space<vmem>> -> memref<128x8xf32, #tpu.memory_space<vmem>>
    %dma_start3A_707 = arith.constant 0 : i32
    %dma_start3A_708 = tpu.memref_slice %arg10[%dma_start3A, %dma_start3A_707] : memref<4x128xi32, #tpu.memory_space<vmem>> -> memref<1x128xi32, #tpu.memory_space<vmem>>
    %dma_start3A_709 = tpu.memref_squeeze %dma_start3A_708 : memref<1x128xi32, #tpu.memory_space<vmem>> -> memref<128xi32, #tpu.memory_space<vmem>>
    %dma_start3A_710 = arith.constant 0 : i32
    %dma_start3A_711 = arith.constant 0 : i32
    %dma_start3A_712 = tpu.memref_slice %arg4[%dma_start3A_710, %dma_start3A_711] : memref<125000x8xf32, #tpu.memory_space<hbm>> -> memref<125000x8xf32, #tpu.memory_space<hbm>>
    tpu.enqueue_indirect_dma source(%dma_start3A_712 : memref<125000x8xf32, #tpu.memory_space<hbm>>) target(%dma_start3A_706 : memref<128x8xf32, #tpu.memory_space<vmem>>) offsets(%dma_start3A_709 : memref<128xi32, #tpu.memory_space<vmem>>) semaphore(%arg16 : memref<!tpu.dma_semaphore, #tpu.memory_space<semaphore_mem>>)
    %dma_start3A_713 = arith.constant 0 : i32
    %dma_start3A_714 = arith.constant 0 : i32
    %dma_start3A_715 = arith.constant 0 : i32
    %dma_start3A_716 = tpu.memref_slice %arg13[%dma_start3A_714, %dma_start3A_715] : memref<512x8xf32, #tpu.memory_space<vmem>> -> memref<128x8xf32, #tpu.memory_space<vmem>>
    %dma_start3A_717 = arith.constant 0 : i32
    %dma_start3A_718 = tpu.memref_slice %arg11[%dma_start3A_713, %dma_start3A_717] : memref<4x128xi32, #tpu.memory_space<vmem>> -> memref<1x128xi32, #tpu.memory_space<vmem>>
    %dma_start3A_719 = tpu.memref_squeeze %dma_start3A_718 : memref<1x128xi32, #tpu.memory_space<vmem>> -> memref<128xi32, #tpu.memory_space<vmem>>
    %dma_start3A_720 = arith.constant 0 : i32
    %dma_start3A_721 = arith.constant 0 : i32
    %dma_start3A_722 = tpu.memref_slice %arg5[%dma_start3A_720, %dma_start3A_721] : memref<12500x8xf32, #tpu.memory_space<hbm>> -> memref<12500x8xf32, #tpu.memory_space<hbm>>
    tpu.enqueue_indirect_dma source(%dma_start3A_722 : memref<12500x8xf32, #tpu.memory_space<hbm>>) target(%dma_start3A_716 : memref<128x8xf32, #tpu.memory_space<vmem>>) offsets(%dma_start3A_719 : memref<128xi32, #tpu.memory_space<vmem>>) semaphore(%arg16 : memref<!tpu.dma_semaphore, #tpu.memory_space<semaphore_mem>>)
    %dma_start3A_723 = arith.constant 1 : i32
    %dma_start3A_724 = arith.constant 128 : i32
    %dma_start3A_725 = arith.constant 0 : i32
    %dma_start3A_726 = tpu.memref_slice %arg12[%dma_start3A_724, %dma_start3A_725] : memref<512x8xf32, #tpu.memory_space<vmem>> -> memref<128x8xf32, #tpu.memory_space<vmem>>
    %dma_start3A_727 = arith.constant 0 : i32
    %dma_start3A_728 = tpu.memref_slice %arg10[%dma_start3A_723, %dma_start3A_727] : memref<4x128xi32, #tpu.memory_space<vmem>> -> memref<1x128xi32, #tpu.memory_space<vmem>>
    %dma_start3A_729 = tpu.memref_squeeze %dma_start3A_728 : memref<1x128xi32, #tpu.memory_space<vmem>> -> memref<128xi32, #tpu.memory_space<vmem>>
    %dma_start3A_730 = arith.constant 0 : i32
    %dma_start3A_731 = arith.constant 0 : i32
    %dma_start3A_732 = tpu.memref_slice %arg4[%dma_start3A_730, %dma_start3A_731] : memref<125000x8xf32, #tpu.memory_space<hbm>> -> memref<125000x8xf32, #tpu.memory_space<hbm>>
    tpu.enqueue_indirect_dma source(%dma_start3A_732 : memref<125000x8xf32, #tpu.memory_space<hbm>>) target(%dma_start3A_726 : memref<128x8xf32, #tpu.memory_space<vmem>>) offsets(%dma_start3A_729 : memref<128xi32, #tpu.memory_space<vmem>>) semaphore(%arg16 : memref<!tpu.dma_semaphore, #tpu.memory_space<semaphore_mem>>)
    %dma_start3A_733 = arith.constant 1 : i32
    %dma_start3A_734 = arith.constant 128 : i32
    %dma_start3A_735 = arith.constant 0 : i32
    %dma_start3A_736 = tpu.memref_slice %arg13[%dma_start3A_734, %dma_start3A_735] : memref<512x8xf32, #tpu.memory_space<vmem>> -> memref<128x8xf32, #tpu.memory_space<vmem>>
    %dma_start3A_737 = arith.constant 0 : i32
    %dma_start3A_738 = tpu.memref_slice %arg11[%dma_start3A_733, %dma_start3A_737] : memref<4x128xi32, #tpu.memory_space<vmem>> -> memref<1x128xi32, #tpu.memory_space<vmem>>
    %dma_start3A_739 = tpu.memref_squeeze %dma_start3A_738 : memref<1x128xi32, #tpu.memory_space<vmem>> -> memref<128xi32, #tpu.memory_space<vmem>>
    %dma_start3A_740 = arith.constant 0 : i32
    %dma_start3A_741 = arith.constant 0 : i32
    %dma_start3A_742 = tpu.memref_slice %arg5[%dma_start3A_740, %dma_start3A_741] : memref<12500x8xf32, #tpu.memory_space<hbm>> -> memref<12500x8xf32, #tpu.memory_space<hbm>>
    tpu.enqueue_indirect_dma source(%dma_start3A_742 : memref<12500x8xf32, #tpu.memory_space<hbm>>) target(%dma_start3A_736 : memref<128x8xf32, #tpu.memory_space<vmem>>) offsets(%dma_start3A_739 : memref<128xi32, #tpu.memory_space<vmem>>) semaphore(%arg16 : memref<!tpu.dma_semaphore, #tpu.memory_space<semaphore_mem>>)
    %dma_start3A_743 = arith.constant 2 : i32
    %dma_start3A_744 = arith.constant 256 : i32
    %dma_start3A_745 = arith.constant 0 : i32
    %dma_start3A_746 = tpu.memref_slice %arg12[%dma_start3A_744, %dma_start3A_745] : memref<512x8xf32, #tpu.memory_space<vmem>> -> memref<128x8xf32, #tpu.memory_space<vmem>>
    %dma_start3A_747 = arith.constant 0 : i32
    %dma_start3A_748 = tpu.memref_slice %arg10[%dma_start3A_743, %dma_start3A_747] : memref<4x128xi32, #tpu.memory_space<vmem>> -> memref<1x128xi32, #tpu.memory_space<vmem>>
    %dma_start3A_749 = tpu.memref_squeeze %dma_start3A_748 : memref<1x128xi32, #tpu.memory_space<vmem>> -> memref<128xi32, #tpu.memory_space<vmem>>
    %dma_start3A_750 = arith.constant 0 : i32
    %dma_start3A_751 = arith.constant 0 : i32
    %dma_start3A_752 = tpu.memref_slice %arg4[%dma_start3A_750, %dma_start3A_751] : memref<125000x8xf32, #tpu.memory_space<hbm>> -> memref<125000x8xf32, #tpu.memory_space<hbm>>
    tpu.enqueue_indirect_dma source(%dma_start3A_752 : memref<125000x8xf32, #tpu.memory_space<hbm>>) target(%dma_start3A_746 : memref<128x8xf32, #tpu.memory_space<vmem>>) offsets(%dma_start3A_749 : memref<128xi32, #tpu.memory_space<vmem>>) semaphore(%arg16 : memref<!tpu.dma_semaphore, #tpu.memory_space<semaphore_mem>>)
    %dma_start3A_753 = arith.constant 2 : i32
    %dma_start3A_754 = arith.constant 256 : i32
    %dma_start3A_755 = arith.constant 0 : i32
    %dma_start3A_756 = tpu.memref_slice %arg13[%dma_start3A_754, %dma_start3A_755] : memref<512x8xf32, #tpu.memory_space<vmem>> -> memref<128x8xf32, #tpu.memory_space<vmem>>
    %dma_start3A_757 = arith.constant 0 : i32
    %dma_start3A_758 = tpu.memref_slice %arg11[%dma_start3A_753, %dma_start3A_757] : memref<4x128xi32, #tpu.memory_space<vmem>> -> memref<1x128xi32, #tpu.memory_space<vmem>>
    %dma_start3A_759 = tpu.memref_squeeze %dma_start3A_758 : memref<1x128xi32, #tpu.memory_space<vmem>> -> memref<128xi32, #tpu.memory_space<vmem>>
    %dma_start3A_760 = arith.constant 0 : i32
    %dma_start3A_761 = arith.constant 0 : i32
    %dma_start3A_762 = tpu.memref_slice %arg5[%dma_start3A_760, %dma_start3A_761] : memref<12500x8xf32, #tpu.memory_space<hbm>> -> memref<12500x8xf32, #tpu.memory_space<hbm>>
    tpu.enqueue_indirect_dma source(%dma_start3A_762 : memref<12500x8xf32, #tpu.memory_space<hbm>>) target(%dma_start3A_756 : memref<128x8xf32, #tpu.memory_space<vmem>>) offsets(%dma_start3A_759 : memref<128xi32, #tpu.memory_space<vmem>>) semaphore(%arg16 : memref<!tpu.dma_semaphore, #tpu.memory_space<semaphore_mem>>)
    %dma_start3A_763 = arith.constant 3 : i32
    %dma_start3A_764 = arith.constant 384 : i32
    %dma_start3A_765 = arith.constant 0 : i32
    %dma_start3A_766 = tpu.memref_slice %arg12[%dma_start3A_764, %dma_start3A_765] : memref<512x8xf32, #tpu.memory_space<vmem>> -> memref<128x8xf32, #tpu.memory_space<vmem>>
    %dma_start3A_767 = arith.constant 0 : i32
    %dma_start3A_768 = tpu.memref_slice %arg10[%dma_start3A_763, %dma_start3A_767] : memref<4x128xi32, #tpu.memory_space<vmem>> -> memref<1x128xi32, #tpu.memory_space<vmem>>
    %dma_start3A_769 = tpu.memref_squeeze %dma_start3A_768 : memref<1x128xi32, #tpu.memory_space<vmem>> -> memref<128xi32, #tpu.memory_space<vmem>>
    %dma_start3A_770 = arith.constant 0 : i32
    %dma_start3A_771 = arith.constant 0 : i32
    %dma_start3A_772 = tpu.memref_slice %arg4[%dma_start3A_770, %dma_start3A_771] : memref<125000x8xf32, #tpu.memory_space<hbm>> -> memref<125000x8xf32, #tpu.memory_space<hbm>>
    tpu.enqueue_indirect_dma source(%dma_start3A_772 : memref<125000x8xf32, #tpu.memory_space<hbm>>) target(%dma_start3A_766 : memref<128x8xf32, #tpu.memory_space<vmem>>) offsets(%dma_start3A_769 : memref<128xi32, #tpu.memory_space<vmem>>) semaphore(%arg16 : memref<!tpu.dma_semaphore, #tpu.memory_space<semaphore_mem>>)
    %dma_start3A_773 = arith.constant 3 : i32
    %dma_start3A_774 = arith.constant 384 : i32
    %dma_start3A_775 = arith.constant 0 : i32
    %dma_start3A_776 = tpu.memref_slice %arg13[%dma_start3A_774, %dma_start3A_775] : memref<512x8xf32, #tpu.memory_space<vmem>> -> memref<128x8xf32, #tpu.memory_space<vmem>>
    %dma_start3A_777 = arith.constant 0 : i32
    %dma_start3A_778 = tpu.memref_slice %arg11[%dma_start3A_773, %dma_start3A_777] : memref<4x128xi32, #tpu.memory_space<vmem>> -> memref<1x128xi32, #tpu.memory_space<vmem>>
    %dma_start3A_779 = tpu.memref_squeeze %dma_start3A_778 : memref<1x128xi32, #tpu.memory_space<vmem>> -> memref<128xi32, #tpu.memory_space<vmem>>
    %dma_start3A_780 = arith.constant 0 : i32
    %dma_start3A_781 = arith.constant 0 : i32
    %dma_start3A_782 = tpu.memref_slice %arg5[%dma_start3A_780, %dma_start3A_781] : memref<12500x8xf32, #tpu.memory_space<hbm>> -> memref<12500x8xf32, #tpu.memory_space<hbm>>
    tpu.enqueue_indirect_dma source(%dma_start3A_782 : memref<12500x8xf32, #tpu.memory_space<hbm>>) target(%dma_start3A_776 : memref<128x8xf32, #tpu.memory_space<vmem>>) offsets(%dma_start3A_779 : memref<128xi32, #tpu.memory_space<vmem>>) semaphore(%arg16 : memref<!tpu.dma_semaphore, #tpu.memory_space<semaphore_mem>>)
    %dma_wait3A = arith.constant 0 : i32
    %dma_wait3A_783 = arith.constant 0 : i32
    %dma_wait3A_784 = arith.constant 0 : i32
    %dma_wait3A_785 = tpu.memref_slice %arg12[%dma_wait3A_783, %dma_wait3A_784] : memref<512x8xf32, #tpu.memory_space<vmem>> -> memref<128x8xf32, #tpu.memory_space<vmem>>
    %dma_wait3A_786 = arith.constant 0 : i32
    %dma_wait3A_787 = tpu.memref_slice %arg10[%dma_wait3A, %dma_wait3A_786] : memref<4x128xi32, #tpu.memory_space<vmem>> -> memref<1x128xi32, #tpu.memory_space<vmem>>
    %dma_wait3A_788 = tpu.memref_squeeze %dma_wait3A_787 : memref<1x128xi32, #tpu.memory_space<vmem>> -> memref<128xi32, #tpu.memory_space<vmem>>
    %dma_wait3A_789 = arith.constant 0 : i32
    %dma_wait3A_790 = arith.constant 0 : i32
    %dma_wait3A_791 = tpu.memref_slice %arg4[%dma_wait3A_789, %dma_wait3A_790] : memref<125000x8xf32, #tpu.memory_space<hbm>> -> memref<125000x8xf32, #tpu.memory_space<hbm>>
    tpu.wait_indirect_dma semaphore(%arg16 : memref<!tpu.dma_semaphore, #tpu.memory_space<semaphore_mem>>) src(%dma_wait3A_791 : memref<125000x8xf32, #tpu.memory_space<hbm>>) dst(%dma_wait3A_785 : memref<128x8xf32, #tpu.memory_space<vmem>>)
    %dma_wait3A_792 = arith.constant 0 : i32
    %dma_wait3A_793 = arith.constant 0 : i32
    %dma_wait3A_794 = arith.constant 0 : i32
    %dma_wait3A_795 = tpu.memref_slice %arg13[%dma_wait3A_793, %dma_wait3A_794] : memref<512x8xf32, #tpu.memory_space<vmem>> -> memref<128x8xf32, #tpu.memory_space<vmem>>
    %dma_wait3A_796 = arith.constant 0 : i32
    %dma_wait3A_797 = tpu.memref_slice %arg11[%dma_wait3A_792, %dma_wait3A_796] : memref<4x128xi32, #tpu.memory_space<vmem>> -> memref<1x128xi32, #tpu.memory_space<vmem>>
    %dma_wait3A_798 = tpu.memref_squeeze %dma_wait3A_797 : memref<1x128xi32, #tpu.memory_space<vmem>> -> memref<128xi32, #tpu.memory_space<vmem>>
    %dma_wait3A_799 = arith.constant 0 : i32
    %dma_wait3A_800 = arith.constant 0 : i32
    %dma_wait3A_801 = tpu.memref_slice %arg5[%dma_wait3A_799, %dma_wait3A_800] : memref<12500x8xf32, #tpu.memory_space<hbm>> -> memref<12500x8xf32, #tpu.memory_space<hbm>>
    tpu.wait_indirect_dma semaphore(%arg16 : memref<!tpu.dma_semaphore, #tpu.memory_space<semaphore_mem>>) src(%dma_wait3A_801 : memref<12500x8xf32, #tpu.memory_space<hbm>>) dst(%dma_wait3A_795 : memref<128x8xf32, #tpu.memory_space<vmem>>)
    %dma_wait3A_802 = arith.constant 1 : i32
    %dma_wait3A_803 = arith.constant 128 : i32
    %dma_wait3A_804 = arith.constant 0 : i32
    %dma_wait3A_805 = tpu.memref_slice %arg12[%dma_wait3A_803, %dma_wait3A_804] : memref<512x8xf32, #tpu.memory_space<vmem>> -> memref<128x8xf32, #tpu.memory_space<vmem>>
    %dma_wait3A_806 = arith.constant 0 : i32
    %dma_wait3A_807 = tpu.memref_slice %arg10[%dma_wait3A_802, %dma_wait3A_806] : memref<4x128xi32, #tpu.memory_space<vmem>> -> memref<1x128xi32, #tpu.memory_space<vmem>>
    %dma_wait3A_808 = tpu.memref_squeeze %dma_wait3A_807 : memref<1x128xi32, #tpu.memory_space<vmem>> -> memref<128xi32, #tpu.memory_space<vmem>>
    %dma_wait3A_809 = arith.constant 0 : i32
    %dma_wait3A_810 = arith.constant 0 : i32
    %dma_wait3A_811 = tpu.memref_slice %arg4[%dma_wait3A_809, %dma_wait3A_810] : memref<125000x8xf32, #tpu.memory_space<hbm>> -> memref<125000x8xf32, #tpu.memory_space<hbm>>
    tpu.wait_indirect_dma semaphore(%arg16 : memref<!tpu.dma_semaphore, #tpu.memory_space<semaphore_mem>>) src(%dma_wait3A_811 : memref<125000x8xf32, #tpu.memory_space<hbm>>) dst(%dma_wait3A_805 : memref<128x8xf32, #tpu.memory_space<vmem>>)
    %dma_wait3A_812 = arith.constant 1 : i32
    %dma_wait3A_813 = arith.constant 128 : i32
    %dma_wait3A_814 = arith.constant 0 : i32
    %dma_wait3A_815 = tpu.memref_slice %arg13[%dma_wait3A_813, %dma_wait3A_814] : memref<512x8xf32, #tpu.memory_space<vmem>> -> memref<128x8xf32, #tpu.memory_space<vmem>>
    %dma_wait3A_816 = arith.constant 0 : i32
    %dma_wait3A_817 = tpu.memref_slice %arg11[%dma_wait3A_812, %dma_wait3A_816] : memref<4x128xi32, #tpu.memory_space<vmem>> -> memref<1x128xi32, #tpu.memory_space<vmem>>
    %dma_wait3A_818 = tpu.memref_squeeze %dma_wait3A_817 : memref<1x128xi32, #tpu.memory_space<vmem>> -> memref<128xi32, #tpu.memory_space<vmem>>
    %dma_wait3A_819 = arith.constant 0 : i32
    %dma_wait3A_820 = arith.constant 0 : i32
    %dma_wait3A_821 = tpu.memref_slice %arg5[%dma_wait3A_819, %dma_wait3A_820] : memref<12500x8xf32, #tpu.memory_space<hbm>> -> memref<12500x8xf32, #tpu.memory_space<hbm>>
    tpu.wait_indirect_dma semaphore(%arg16 : memref<!tpu.dma_semaphore, #tpu.memory_space<semaphore_mem>>) src(%dma_wait3A_821 : memref<12500x8xf32, #tpu.memory_space<hbm>>) dst(%dma_wait3A_815 : memref<128x8xf32, #tpu.memory_space<vmem>>)
    %dma_wait3A_822 = arith.constant 2 : i32
    %dma_wait3A_823 = arith.constant 256 : i32
    %dma_wait3A_824 = arith.constant 0 : i32
    %dma_wait3A_825 = tpu.memref_slice %arg12[%dma_wait3A_823, %dma_wait3A_824] : memref<512x8xf32, #tpu.memory_space<vmem>> -> memref<128x8xf32, #tpu.memory_space<vmem>>
    %dma_wait3A_826 = arith.constant 0 : i32
    %dma_wait3A_827 = tpu.memref_slice %arg10[%dma_wait3A_822, %dma_wait3A_826] : memref<4x128xi32, #tpu.memory_space<vmem>> -> memref<1x128xi32, #tpu.memory_space<vmem>>
    %dma_wait3A_828 = tpu.memref_squeeze %dma_wait3A_827 : memref<1x128xi32, #tpu.memory_space<vmem>> -> memref<128xi32, #tpu.memory_space<vmem>>
    %dma_wait3A_829 = arith.constant 0 : i32
    %dma_wait3A_830 = arith.constant 0 : i32
    %dma_wait3A_831 = tpu.memref_slice %arg4[%dma_wait3A_829, %dma_wait3A_830] : memref<125000x8xf32, #tpu.memory_space<hbm>> -> memref<125000x8xf32, #tpu.memory_space<hbm>>
    tpu.wait_indirect_dma semaphore(%arg16 : memref<!tpu.dma_semaphore, #tpu.memory_space<semaphore_mem>>) src(%dma_wait3A_831 : memref<125000x8xf32, #tpu.memory_space<hbm>>) dst(%dma_wait3A_825 : memref<128x8xf32, #tpu.memory_space<vmem>>)
    %dma_wait3A_832 = arith.constant 2 : i32
    %dma_wait3A_833 = arith.constant 256 : i32
    %dma_wait3A_834 = arith.constant 0 : i32
    %dma_wait3A_835 = tpu.memref_slice %arg13[%dma_wait3A_833, %dma_wait3A_834] : memref<512x8xf32, #tpu.memory_space<vmem>> -> memref<128x8xf32, #tpu.memory_space<vmem>>
    %dma_wait3A_836 = arith.constant 0 : i32
    %dma_wait3A_837 = tpu.memref_slice %arg11[%dma_wait3A_832, %dma_wait3A_836] : memref<4x128xi32, #tpu.memory_space<vmem>> -> memref<1x128xi32, #tpu.memory_space<vmem>>
    %dma_wait3A_838 = tpu.memref_squeeze %dma_wait3A_837 : memref<1x128xi32, #tpu.memory_space<vmem>> -> memref<128xi32, #tpu.memory_space<vmem>>
    %dma_wait3A_839 = arith.constant 0 : i32
    %dma_wait3A_840 = arith.constant 0 : i32
    %dma_wait3A_841 = tpu.memref_slice %arg5[%dma_wait3A_839, %dma_wait3A_840] : memref<12500x8xf32, #tpu.memory_space<hbm>> -> memref<12500x8xf32, #tpu.memory_space<hbm>>
    tpu.wait_indirect_dma semaphore(%arg16 : memref<!tpu.dma_semaphore, #tpu.memory_space<semaphore_mem>>) src(%dma_wait3A_841 : memref<12500x8xf32, #tpu.memory_space<hbm>>) dst(%dma_wait3A_835 : memref<128x8xf32, #tpu.memory_space<vmem>>)
    %dma_wait3A_842 = arith.constant 3 : i32
    %dma_wait3A_843 = arith.constant 384 : i32
    %dma_wait3A_844 = arith.constant 0 : i32
    %dma_wait3A_845 = tpu.memref_slice %arg12[%dma_wait3A_843, %dma_wait3A_844] : memref<512x8xf32, #tpu.memory_space<vmem>> -> memref<128x8xf32, #tpu.memory_space<vmem>>
    %dma_wait3A_846 = arith.constant 0 : i32
    %dma_wait3A_847 = tpu.memref_slice %arg10[%dma_wait3A_842, %dma_wait3A_846] : memref<4x128xi32, #tpu.memory_space<vmem>> -> memref<1x128xi32, #tpu.memory_space<vmem>>
    %dma_wait3A_848 = tpu.memref_squeeze %dma_wait3A_847 : memref<1x128xi32, #tpu.memory_space<vmem>> -> memref<128xi32, #tpu.memory_space<vmem>>
    %dma_wait3A_849 = arith.constant 0 : i32
    %dma_wait3A_850 = arith.constant 0 : i32
    %dma_wait3A_851 = tpu.memref_slice %arg4[%dma_wait3A_849, %dma_wait3A_850] : memref<125000x8xf32, #tpu.memory_space<hbm>> -> memref<125000x8xf32, #tpu.memory_space<hbm>>
    tpu.wait_indirect_dma semaphore(%arg16 : memref<!tpu.dma_semaphore, #tpu.memory_space<semaphore_mem>>) src(%dma_wait3A_851 : memref<125000x8xf32, #tpu.memory_space<hbm>>) dst(%dma_wait3A_845 : memref<128x8xf32, #tpu.memory_space<vmem>>)
    %dma_wait3A_852 = arith.constant 3 : i32
    %dma_wait3A_853 = arith.constant 384 : i32
    %dma_wait3A_854 = arith.constant 0 : i32
    %dma_wait3A_855 = tpu.memref_slice %arg13[%dma_wait3A_853, %dma_wait3A_854] : memref<512x8xf32, #tpu.memory_space<vmem>> -> memref<128x8xf32, #tpu.memory_space<vmem>>
    %dma_wait3A_856 = arith.constant 0 : i32
    %dma_wait3A_857 = tpu.memref_slice %arg11[%dma_wait3A_852, %dma_wait3A_856] : memref<4x128xi32, #tpu.memory_space<vmem>> -> memref<1x128xi32, #tpu.memory_space<vmem>>
    %dma_wait3A_858 = tpu.memref_squeeze %dma_wait3A_857 : memref<1x128xi32, #tpu.memory_space<vmem>> -> memref<128xi32, #tpu.memory_space<vmem>>
    %dma_wait3A_859 = arith.constant 0 : i32
    %dma_wait3A_860 = arith.constant 0 : i32
    %dma_wait3A_861 = tpu.memref_slice %arg5[%dma_wait3A_859, %dma_wait3A_860] : memref<12500x8xf32, #tpu.memory_space<hbm>> -> memref<12500x8xf32, #tpu.memory_space<hbm>>
    tpu.wait_indirect_dma semaphore(%arg16 : memref<!tpu.dma_semaphore, #tpu.memory_space<semaphore_mem>>) src(%dma_wait3A_861 : memref<12500x8xf32, #tpu.memory_space<hbm>>) dst(%dma_wait3A_855 : memref<128x8xf32, #tpu.memory_space<vmem>>)
    %get3A_862 = arith.constant 0 : index
    %get3A_863 = tpu.vector_load %arg14[%get3A_862] {strides = array<i32>} : memref<16xf32, #tpu.memory_space<vmem>>, vector<16xf32>,
    %iota3A = tpu.iota {dimensions = array<i32: 0>} : vector<16xi32>
    %broadcast_in_dim3A = arith.constant 7 : i32
    %broadcast_in_dim3A_864 = vector.broadcast %broadcast_in_dim3A : i32 to vector<16xi32>
    %scan3A = arith.constant 0 : i32
    %scan3A_865 = arith.constant 0 : i32
    %scan3A_866 = arith.constant 32 : i32
    %scan3A_867 = arith.addi %scan3A_865, %scan3A_866 : i32
    %scan3A_868 = arith.constant 1 : i32
    scf.for %scan3A_872 = %scan3A_865 to %scan3A_867 step %scan3A_868  : i32 {
      %jit3A = arith.constant 8 : i32
      %div3A = arith.divsi %scan3A_872, %jit3A : i32
      %sign3A = arith.constant 0 : i32
      %sign3A_873 = arith.cmpi sgt, %scan3A_872, %sign3A : i32
      %sign3A_874 = arith.extui %sign3A_873 : i1 to i32
      %sign3A_875 = arith.constant 0 : i32
      %sign3A_876 = arith.cmpi slt, %scan3A_872, %sign3A_875 : i32
      %sign3A_877 = arith.extui %sign3A_876 : i1 to i32
      %sign3A_878 = arith.subi %sign3A_874, %sign3A_877 : i32
      %sign3A_879 = arith.constant 0 : i32
      %sign3A_880 = arith.cmpi sgt, %jit3A, %sign3A_879 : i32
      %sign3A_881 = arith.extui %sign3A_880 : i1 to i32
      %sign3A_882 = arith.constant 0 : i32
      %sign3A_883 = arith.cmpi slt, %jit3A, %sign3A_882 : i32
      %sign3A_884 = arith.extui %sign3A_883 : i1 to i32
      %sign3A_885 = arith.subi %sign3A_881, %sign3A_884 : i32
      %ne3A = arith.cmpi ne, %sign3A_878, %sign3A_885 : i32
      %rem3A = arith.remsi %scan3A_872, %jit3A : i32
      %ne3A_886 = arith.constant 0 : i32
      %ne3A_887 = arith.cmpi ne, %rem3A, %ne3A_886 : i32
      %and3A = arith.andi %ne3A, %ne3A_887 : i1
      %sub3A = arith.constant 1 : i32
      %sub3A_888 = arith.subi %div3A, %sub3A : i32
      %select_n3A = arith.select %and3A, %sub3A_888, %div3A : i32
      %jit3A_889 = arith.constant 8 : i32
      %eq3A = arith.constant 0 : i32
      %eq3A_890 = arith.cmpi eq, %jit3A_889, %eq3A : i32
      %jit3A_891 = arith.constant 1 : i32
      %select_n3A_892 = arith.select %eq3A_890, %jit3A_891, %jit3A_889 : i32
      %rem3A_893 = arith.remsi %scan3A_872, %select_n3A_892 : i32
      %ne3A_894 = arith.constant 0 : i32
      %ne3A_895 = arith.cmpi ne, %rem3A_893, %ne3A_894 : i32
      %lt3A = arith.constant 0 : i32
      %lt3A_896 = arith.cmpi slt, %rem3A_893, %lt3A : i32
      %lt3A_897 = arith.constant 0 : i32
      %lt3A_898 = arith.cmpi slt, %select_n3A_892, %lt3A_897 : i32
      %ne3A_899 = arith.xori %lt3A_896, %lt3A_898 : i1
      %and3A_900 = arith.andi %ne3A_899, %ne3A_895 : i1
      %add3A_901 = arith.addi %rem3A_893, %select_n3A_892 : i32
      %select_n3A_902 = arith.select %and3A_900, %add3A_901, %rem3A_893 : i32
      %mul3A_903 = arith.constant 16 : i32
      %mul3A_904 = arith.muli %select_n3A_902, %mul3A_903 : i32
      %mul3A_905 = arith.constant 16 : i32
      %mul3A_906 = arith.muli %scan3A_872, %mul3A_905 : i32
      %add3A_907 = vector.broadcast %mul3A_906 : i32 to vector<16xi32>
      %add3A_908 = arith.addi %add3A_907, %iota3A : vector<16xi32>
      %get3A_909 = arith.index_cast %select_n3A : i32 to index
      %get3A_910 = arith.index_cast %mul3A_904 : i32 to index
      %get3A_911 = tpu.vector_load %arg8[%get3A_909, %get3A_910] {strides = array<i32>} : memref<4x128xi32, #tpu.memory_space<vmem>>, vector<16xi32>,
      %and3A_912 = arith.andi %get3A_911, %broadcast_in_dim3A_864 : vector<16xi32>
      %get3A_913 = arith.index_cast %select_n3A : i32 to index
      %get3A_914 = arith.index_cast %mul3A_904 : i32 to index
      %get3A_915 = tpu.vector_load %arg9[%get3A_913, %get3A_914] {strides = array<i32>} : memref<4x128xi32, #tpu.memory_space<vmem>>, vector<16xi32>,
      %and3A_916 = arith.andi %get3A_915, %broadcast_in_dim3A_864 : vector<16xi32>
      %gather3A = tpu.vector_load_idx %arg12[%add3A_908, %and3A_912] : memref<512x8xf32, #tpu.memory_space<vmem>>[vector<16xi32>, vector<16xi32>], vector<16xf32>,
      %gather3A_917 = tpu.vector_load_idx %arg13[%add3A_908, %and3A_916] : memref<512x8xf32, #tpu.memory_space<vmem>>[vector<16xi32>, vector<16xi32>], vector<16xf32>,
      %add3A_918 = arith.addf %gather3A, %gather3A_917 : vector<16xf32>
      %add3A_919 = arith.addf %add3A_918, %get3A_863 : vector<16xf32>
      %mul3A_920 = arith.constant 16 : i32
      %mul3A_921 = arith.muli %scan3A_872, %mul3A_920 : i32
      %swap3A_922 = arith.index_cast %mul3A_921 : i32 to index
      %swap3A_923 = tpu.vector_load %arg15[%swap3A_922] {strides = array<i32>} : memref<512xf32, #tpu.memory_space<vmem>>, vector<16xf32>,
      tpu.vector_store %arg15[%swap3A_922], %add3A_919 {strides = array<i32>} : memref<512xf32, #tpu.memory_space<vmem>>, vector<16xf32>,
    }
    %scan3A_869 = arith.constant 32 : i32
    %mul3A_870 = arith.constant 512 : i32
    %mul3A_871 = arith.muli %add3A, %mul3A_870 : i32
    "tpu.region"() ({
      %run_scoped3A = tpu.sem_alloc : memref<!tpu.dma_semaphore, #tpu.memory_space<semaphore_mem>>
      %dma_start3A_872 = tpu.memref_slice %arg7[%mul3A_871] : memref<16384xf32, #tpu.memory_space<hbm>> -> memref<512xf32, #tpu.memory_space<hbm>>
      %dma_start3A_873 = tpu.memref_slice %arg7[%mul3A_871] : memref<16384xf32, #tpu.memory_space<hbm>> -> memref<512xf32, #tpu.memory_space<hbm>>
      tpu.enqueue_dma source(%arg15 : memref<512xf32, #tpu.memory_space<vmem>>) target(%dma_start3A_873 : memref<512xf32, #tpu.memory_space<hbm>>) target_semaphore(%run_scoped3A : memref<!tpu.dma_semaphore, #tpu.memory_space<semaphore_mem>>)
      %dma_wait3A_874 = tpu.memref_slice %arg7[%mul3A_871] : memref<16384xf32, #tpu.memory_space<hbm>> -> memref<512xf32, #tpu.memory_space<hbm>>
      %dma_wait3A_875 = tpu.memref_slice %arg7[%mul3A_871] : memref<16384xf32, #tpu.memory_space<hbm>> -> memref<512xf32, #tpu.memory_space<hbm>>
      tpu.wait_dma2 semaphore(%run_scoped3A : memref<!tpu.dma_semaphore, #tpu.memory_space<semaphore_mem>>) src(%arg15 : memref<512xf32, #tpu.memory_space<vmem>>) dst(%dma_wait3A_875 : memref<512xf32, #tpu.memory_space<hbm>>)
      tpu.yield
    }) : () -> ()
    return
  }
}

module attributes {stable_mosaic.version = 14 : i64} {
  func.func @_score_body(%arg0: i32, %arg1: memref<32x65536xf32, #tpu.memory_space<vmem>>, %arg2: memref<32x1xf32, #tpu.memory_space<vmem>>, %arg3: memref<65536xf32, #tpu.memory_space<vmem>>) attributes {dimension_semantics = [#tpu.dimension_semantics<arbitrary>], iteration_bounds = array<i64: 16>, scalar_prefetch = 0 : i64, scratch_operands = 0 : i64, tpu.core_type = #tpu.core_type<tc>, window_params = [{transform_indices = @transform_0, window_bounds = array<i64: 32, 65536>}, {pipeline_mode = #tpu.pipeline_mode<synchronous>, transform_indices = @transform_1, window_bounds = array<i64: 32, 1>}, {transform_indices = @transform_2, window_bounds = array<i64: 65536>}]} {
    %get3A = arith.constant 0 : index
    %get3A_0 = arith.constant 0 : index
    %get3A_1 = vector.load %arg1[%get3A, %get3A_0] : memref<32x65536xf32, #tpu.memory_space<vmem>>, vector<32x65536xf32>
    %get3A_2 = arith.constant 0 : index
    %get3A_3 = arith.constant 0 : index
    %get3A_4 = vector.load %arg2[%get3A_2, %get3A_3] : memref<32x1xf32, #tpu.memory_space<vmem>>, vector<32x1xf32>
    %mul3A = vector.broadcast %get3A_4 : vector<32x1xf32> to vector<32x65536xf32>
    %mul3A_5 = arith.mulf %get3A_1, %mul3A : vector<32x65536xf32>
    %reduce_sum3A = arith.constant dense<0.000000e+00> : vector<65536xf32>
    %reduce_sum3A_6 = vector.multi_reduction <add>, %mul3A_5, %reduce_sum3A [0] : vector<32x65536xf32> to vector<65536xf32>
    %swap3A = arith.constant 0 : index
    %swap3A_7 = vector.load %arg3[%swap3A] : memref<65536xf32, #tpu.memory_space<vmem>>, vector<65536xf32>
    tpu.vector_store %arg3[%swap3A], %reduce_sum3A_6 {strides = array<i32>} : memref<65536xf32, #tpu.memory_space<vmem>>, vector<65536xf32>,
    return
  }
  func.func @transform_0(%arg0: i32) -> (i32, i32) {
    %c0_i32 = arith.constant 0 : i32
    %c0_i32_0 = arith.constant 0 : i32
    return %c0_i32, %arg0 : i32, i32
  }
  func.func @transform_1(%arg0: i32) -> (i32, i32) {
    %c0_i32 = arith.constant 0 : i32
    %c0_i32_0 = arith.constant 0 : i32
    %c0_i32_1 = arith.constant 0 : i32
    return %c0_i32, %c0_i32_0 : i32, i32
  }
  func.func @transform_2(%arg0: i32) -> i32 {
    %c0_i32 = arith.constant 0 : i32
    return %arg0 : i32
  }
}

module attributes {stable_mosaic.version = 14 : i64} {
  func.func @_score_body(%arg0: i32, %arg1: memref<32x65536xf32, #tpu.memory_space<vmem>>, %arg2: memref<32x1xf32, #tpu.memory_space<vmem>>, %arg3: memref<65536xf32, #tpu.memory_space<vmem>>) attributes {dimension_semantics = [#tpu.dimension_semantics<arbitrary>], iteration_bounds = array<i64: 2>, scalar_prefetch = 0 : i64, scratch_operands = 0 : i64, tpu.core_type = #tpu.core_type<tc>, window_params = [{transform_indices = @transform_0, window_bounds = array<i64: 32, 65536>}, {pipeline_mode = #tpu.pipeline_mode<synchronous>, transform_indices = @transform_1, window_bounds = array<i64: 32, 1>}, {transform_indices = @transform_2, window_bounds = array<i64: 65536>}]} {
    %get3A = arith.constant 0 : index
    %get3A_0 = arith.constant 0 : index
    %get3A_1 = vector.load %arg1[%get3A, %get3A_0] : memref<32x65536xf32, #tpu.memory_space<vmem>>, vector<32x65536xf32>
    %get3A_2 = arith.constant 0 : index
    %get3A_3 = arith.constant 0 : index
    %get3A_4 = vector.load %arg2[%get3A_2, %get3A_3] : memref<32x1xf32, #tpu.memory_space<vmem>>, vector<32x1xf32>
    %mul3A = vector.broadcast %get3A_4 : vector<32x1xf32> to vector<32x65536xf32>
    %mul3A_5 = arith.mulf %get3A_1, %mul3A : vector<32x65536xf32>
    %reduce_sum3A = arith.constant dense<0.000000e+00> : vector<65536xf32>
    %reduce_sum3A_6 = vector.multi_reduction <add>, %mul3A_5, %reduce_sum3A [0] : vector<32x65536xf32> to vector<65536xf32>
    %swap3A = arith.constant 0 : index
    %swap3A_7 = vector.load %arg3[%swap3A] : memref<65536xf32, #tpu.memory_space<vmem>>, vector<65536xf32>
    tpu.vector_store %arg3[%swap3A], %reduce_sum3A_6 {strides = array<i32>} : memref<65536xf32, #tpu.memory_space<vmem>>, vector<65536xf32>,
    return
  }
  func.func @transform_0(%arg0: i32) -> (i32, i32) {
    %c0_i32 = arith.constant 0 : i32
    %c0_i32_0 = arith.constant 0 : i32
    return %c0_i32, %arg0 : i32, i32
  }
  func.func @transform_1(%arg0: i32) -> (i32, i32) {
    %c0_i32 = arith.constant 0 : i32
    %c0_i32_0 = arith.constant 0 : i32
    %c0_i32_1 = arith.constant 0 : i32
    return %c0_i32, %c0_i32_0 : i32, i32
  }
  func.func @transform_2(%arg0: i32) -> i32 {
    %c0_i32 = arith.constant 0 : i32
    return %arg0 : i32
  }
}

</mosaic_0001>

<sc_bundles>
// kernel: kernel.5.cloned.1.call-start
scs
__scs_entry_jumppad:
0x0: {  	(pc) =	sbr.rel $0x88, $3  }
0x1: {  	(tag) =	ssettag $0x0;
	lr =	simm.s32 $0x1  }
0x2: {  	[smem:$0x3F9B] =	sst lr;
	_ =	strace $0xD0000000  }
0x3: {  	_ = 	snop  }
0x4: {  	_ = 	snop  }
0x5: {  	_ = 	snop  }
0x6: {  	_ = 	snop  }
0x7: {  	_ = 	snop  }
__scs_overlays_trampoline_lowered:
0x8: {  	[smem:$0x3FAA] =	sst s0  }
0x9: {  	[smem:$0x3FAB] =	sst s1  }
0xa: {  	[smem:$0x3FAC] =	sst s2  }
0xb: {  	[smem:$0x3FAD] =	sst s3  }
0xc: {  	[smem:$0x3FAE] =	sst s4  }
0xd: {  	[smem:$0x3FAF] =	sst s5  }
0xe: {  	[smem:$0x3FB0] =	sst s6  }
0xf: {  	[smem:$0x3FB1] =	sst s7  }
0x10: {  	[smem:$0x3FB2] =	sst s8  }
0x11: {  	[smem:$0x3FB3] =	sst s9;
	s0 =	simm.s32 @!p0 $0x0  }
0x12: {  	s1 =	sld [smem:$0x3F99];
	s0 =	simm.s32 @p0 $0x1  }
0x13: {  	[smem:$0x3FB4] =	sst s0;
	s0 =	simm.s32 @!p1 $0x0  }
0x14: {  	s2 =	sld [smem:$0x3F98];
	s0 =	simm.s32 @p1 $0x1  }
0x15: {  	[smem:$0x3FB5] =	sst s0;
	s0 =	simm.s32 @!p2 $0x0  }
0x16: {  	s3 =	sld [smem:$0x3FDB];
	s0 =	simm.s32 @p2 $0x1  }
0x17: {  	s4 =	simm.s32 $0x1BF5;
	[smem:$0x3FB7] =	sst s0  }
0x18: {  	s0 =	sld [smem:$0x3F9A];
	_ =	swait.ge [sflag:s4], $0x0  }
0x19: {  	s7 =	sld [smem:$0x3F9B]  }
0x1a: {  	s8 =	sadd.s32 $0xFFFFE003, lr  }
0x1b: {  	s9 =	sadd.s32 $0xFFFFFEF7, lr;
	s5 =	simm.s32 $0xFFFFFFFF;
	p2 =	slt.u32 s8, $0xFFFFF086  }
0x1c: {  	p1 =	slt.u32 s9, $0xF7A;
	s5 =	simm.s32 @!p2 $0x0  }
0x1d: {  	s5 =	simm.s32 @p1 $0x1;
	p0 =	seq.s32 s7, s2  }
0x1e: {  	s7 =	smul.u32 @!p0 $0xF7A, s2;
	p2 =	seq.s32 @!p0 s5, $0x0  }
0x1f: {  	s9 =	smul.u32 $0xF7A, s1;
	s8 =	simm.s32 @!p0 $0x1BF5;
	p2 =	por !p2, p0  }
0x20: {  	[sflag:s8] =	ssyncset.s32 @!p0 $0xFFFFF086;
	s6 =	sadd.s32 @!p0 s3, s7;
	s7 =	simm.s32 @!p0 $0x108  }
0x21: {  	s3 =	sadd.s32 s3, s9;
	s6 =	sadd.s32 @!p0 $0x88, s6;
	s7 =	simm.s32 @p2 $0x1082  }
0x22: {  	[simem:s7], [sflag:s8] =	dma.local @!p0 [hbm:s6], $0xF7A  }
0x23: {  	s9 =	sor.u32 $0xD0000000, s2;
	s6 =	simm.s32 $0x108;
	_ =	swait.ge @!p0 [sflag:s8], $0x0  }
0x24: {  	s3 =	sadd.s32 $0x88, s3;
	s6 =	simm.s32 @!p1 $0x1082;
	[sflag:s4] =	ssyncset.s32 $0xFFFFF086  }
0x25: {  	[simem:s6], [sflag:s4] =	dma.local [hbm:s3], $0xF7A  }
0x26: {  	[smem:$0x3F9B] =	sst s1;
	(tag) =	ssettag s2;
	_ =	strace s9  }
0x27: {  	s1 =	sld [smem:$0x3FAB]  }
0x28: {  	s2 =	sld [smem:$0x3FAC]  }
0x29: {  	s4 =	sld [smem:$0x3FAE]  }
0x2a: {  	p0 =	seq.s32 s5, $0x0;
	s5 =	sld [smem:$0x3FAF]  }
0x2b: {  	s6 =	sld [smem:$0x3FB0]  }
0x2c: {  	s7 =	sld [smem:$0x3FB1]  }
0x2d: {  	s3 =	simm.s32 $0x108;
	s8 =	sld [smem:$0x3FB2]  }
0x2e: {  	s3 =	simm.s32 @!p0 $0x1082;
	s9 =	sld [smem:$0x3FB3]  }
0x2f: {  	lr =	sadd.s32 s0, s3;
	s0 =	sld [smem:$0x3FAA]  }
0x30: {  	s3 =	sld [smem:$0x3FAD]  }
0x31: {  	[smem:$0x3FB6] =	sst s10  }
0x32: {  	s10 =	sld [smem:$0x3FB4];
	_ =	sdelay $0x3  }
0x33: {  	p0 =	seq.s32 s10, $0x1;
	s10 =	sld [smem:$0x3FB6];
	_ =	sdelay $0x3  }
0x34: {  	[smem:$0x3FB6] =	sst s10  }
0x35: {  	s10 =	sld [smem:$0x3FB5];
	_ =	sdelay $0x3  }
0x36: {  	p1 =	seq.s32 s10, $0x1;
	s10 =	sld [smem:$0x3FB6];
	_ =	sdelay $0x3  }
0x37: {  	[smem:$0x3FB6] =	sst s10  }
0x38: {  	s10 =	sld [smem:$0x3FB7]  }
0x39: {  	_ = 	snop;
	(pc) =	sbr.ind lr, $3  }
0x3a: {  	_ = 	snop  }
0x3b: {  	_ = 	snop  }
0x3c: {  	p2 =	seq.s32 s10, $0x1;
	s10 =	sld [smem:$0x3FB6]  }
0x3d: {  	_ =	shalt  }
0x3e: {  	_ =	shalt  }
0x3f: {  	_ =	shalt  }
0x40: {  	_ =	shalt  }
0x41: {  	_ =	shalt  }
0x42: {  	_ =	shalt  }
0x43: {  	_ =	shalt  }
0x44: {  	_ =	shalt  }
0x45: {  	_ =	shalt  }
0x46: {  	_ =	shalt  }
0x47: {  	_ =	shalt  }
0x48: {  	_ =	shalt  }
0x49: {  	_ =	shalt  }
0x4a: {  	_ =	shalt  }
0x4b: {  	_ =	shalt  }
0x4c: {  	_ =	shalt  }
0x4d: {  	_ =	shalt  }
0x4e: {  	_ =	shalt  }
0x4f: {  	_ =	shalt  }
0x50: {  	_ =	shalt  }
0x51: {  	_ =	shalt  }
0x52: {  	_ =	shalt  }
0x53: {  	_ =	shalt  }
0x54: {  	_ =	shalt  }
0x55: {  	_ =	shalt  }
0x56: {  	_ =	shalt  }
0x57: {  	_ =	shalt  }
0x58: {  	_ =	shalt  }
0x59: {  	_ =	shalt  }
0x5a: {  	_ =	shalt  }
0x5b: {  	_ =	shalt  }
0x5c: {  	_ =	shalt  }
0x5d: {  	_ =	shalt  }
0x5e: {  	_ =	shalt  }
0x5f: {  	_ =	shalt  }
0x60: {  	_ =	shalt  }
0x61: {  	_ =	shalt  }
0x62: {  	_ =	shalt  }
0x63: {  	_ =	shalt  }
0x64: {  	_ =	shalt  }
0x65: {  	_ =	shalt  }
0x66: {  	_ =	shalt  }
0x67: {  	_ =	shalt  }
0x68: {  	_ =	shalt  }
0x69: {  	_ =	shalt  }
0x6a: {  	_ =	shalt  }
0x6b: {  	_ =	shalt  }
0x6c: {  	_ =	shalt  }
0x6d: {  	_ =	shalt  }
0x6e: {  	_ =	shalt  }
0x6f: {  	_ =	shalt  }
0x70: {  	_ =	shalt  }
0x71: {  	_ =	shalt  }
0x72: {  	_ =	shalt  }
0x73: {  	_ =	shalt  }
0x74: {  	_ =	shalt  }
0x75: {  	_ =	shalt  }
0x76: {  	_ =	shalt  }
0x77: {  	_ =	shalt  }
0x78: {  	_ =	shalt  }
0x79: {  	_ =	shalt  }
0x7a: {  	_ =	shalt  }
0x7b: {  	_ =	shalt  }
0x7c: {  	_ =	shalt  }
0x7d: {  	_ =	shalt  }
0x7e: {  	_ =	shalt  }
0x7f: {  	_ =	shalt  }
0x80: {  	_ =	shalt  }
0x81: {  	_ =	shalt  }
0x82: {  	_ =	shalt  }
0x83: {  	_ =	shalt  }
0x84: {  	_ =	shalt  }
0x85: {  	_ =	shalt  }
0x86: {  	_ =	shalt  }
0x87: {  	_ =	shalt  }
.Lfunc_end0:
.L_simem_size_0:
called_computation_lowered:
.L_overlay_start_0:
0x88: {  	s2 =	sld [smem:$0x3FD9]  }
0x89: {  	s3 =	sld [smem:$0x3FFE];
	_ =	sdelay $0x1  }
0x8a: {  	s1 =	srdreg.scid  }
0x8b: {  	s0 =	sand.u32 $0x1, s1  }
0x8c: {  	s17 =	sshll.u32 s0, $0xA;
	s2 =	sadd.s32 s3, s2  }
0x8d: {  	s2 =	sadd.s32 s2, s17  }
0x8e: {  	[smem:$0x3FC2] =	sst s2  }
0x8f: {  	_ = 	snop  }
0x90: {  	s2 =	sld [smem:$0x3FC9]  }
0x91: {  	s18 =	sld [smem:$0x3FC8]  }
0x92: {  	s4 =	sld [smem:$0x3FD0];
	(tm) =	ssettm $0x1  }
0x93: {  	s5 =	sld [smem:$0x3FFB];
	_ =	sdelay $0x3  }
0x94: {  	_ =	strace s5  }
0x95: {  	s5 =	sld [smem:$0x3FFC];
	_ =	sdelay $0x3  }
0x96: {  	_ =	strace s5  }
0x97: {  	s5 =	sld [smem:$0x3FFD];
	_ =	sdelay $0x3  }
0x98: {  	_ =	strace s5  }
0x99: {  	_ =	strace $0x8FFFFFFF  }
0x9a: {  	s19 =	sld [smem:$0x3FDB];
	_ =	sdelay $0x1  }
0x9b: {  	s6 =	simm.s32 $_scs_section_size  }
0x9c: {  	s7 =	simm.s32 $_size__tile_overlayer_lowered;
	s8 =	simm.s32 $_tile_overlayer_lowered  }
0x9d: {  	s22 =	simm.s32 $0x1BFF;
	s21 =	sshll.u32 s8, $0x1;
	s5 =	sadd.s32 s6, s19  }
0x9e: {  	s9 =	simm.s32 $0x0;
	s20 =	sshll.u32 s7, $0x1;
	s7 =	sadd.s32 s21, s5  }
0x9f: {  	[timem:s9], [sflag:s22] =	dma.local [hbm:s7], s20  }
0xa0: {  	_ =	swait.ge [sflag:s22], s20  }
0xa1: {  	s6 =	ssub.s32 $0x0, s20;
	[sflag:s22] =	ssyncset.done $0x0  }
0xa2: {  	[sflag:s22] =	ssyncadd.s32 s6;
	_ =	sdelay $0x1  }
0xa3: {  	s23 =	simm.s32 $0x1B8B  }
0xa4: {  	_ =	swait.ge [sflag:s23], $0x1  }
0xa5: {  	[sflag:s23] =	ssyncset.done $0x0  }
0xa6: {  	s25 =	simm.s32 $0x1B8E;
	s24 =	sld [smem:$0x3FFE];
	[sflag:s23] =	ssyncadd.s32 $0xFFFFFFFF  }
0xa7: {  	s26 =	simm.s32 $execute0_lowered;
	[smem:$0x3FD2] =	sst s25  }
0xa8: {  	s7 =	sshll.u32 s26, $0x1;
	_ =	strace $0x80000046;
	[dreg:$0x1] =	wrdreg $0xFFFFFFFF  }
0xa9: {  	s28 =	simm.s32 $_size_execute0_lowered;
	s5 =	sadd.s32 s5, s7;
	[dreg:$0x0] =	wrdreg $0x0  }
0xaa: {  	s7 =	sshll.u32 s28, $0x1;
	[dreg:$0x2] =	wrdreg s5  }
0xab: {  	[dreg:$0x3] =	wrdreg s7  }
0xac: {  	[dreg:$0x4] =	wrdreg $0xC0  }
0xad: {  	_ =	task [dreg:s9], $0x5FFFF  }
0xae: {  	[dreg:$0x1] =	wrdreg $0xFFFFFFFF  }
0xaf: {  	[dreg:$0x0] =	wrdreg $0x60  }
0xb0: {  	[dreg:$0x2] =	wrdreg s2  }
0xb1: {  	[dreg:$0x3] =	wrdreg s18  }
0xb2: {  	[dreg:$0x4] =	wrdreg s24  }
0xb3: {  	[dreg:$0x5] =	wrdreg s4  }
0xb4: {  	[dreg:$0x6] =	wrdreg $0x9  }
0xb5: {  	_ =	task.clear_ibuf [dreg:s9], $0x7FFFF;
	_ =	strace $0x90000046  }
0xb6: {  	s29 =	simm.s32 $0x9;
	_ =	strace $0x80000048  }
0xb7: {  	_ =	swait.ge [sflag:s29], $0x1  }
0xb8: {  	[sflag:s29] =	ssyncadd.s32 $0xFFFFFFFF  }
0xb9: {  	_ =	strace $0x90000048  }
0xba: {  	_ =	sfence  }
0xbb: {  	s30 =	sld [smem:$0x0];
	_ =	sdelay $0x2  }
0xbc: {  	s31 =	sshll.u32 s1, $0xD;
	s1 =	sshrl.u32 s1, $0x2  }
0xbd: {  	s3 =	sand.u32 $0x4000, s31;
	s1 =	sadd.s32 s1, s30  }
0xbe: {  	s0 =	sor.u32 s3, s0;
	s1 =	sshll.u32 s1, $0x11  }
0xbf: {  	s0 =	sor.u32 s1, s0  }
0xc0: {  	s0 =	sadd.s32 $0x8F2B, s0  }
0xc1: {  	[sflag:s0] =	ssyncadd.remote.s32 $0x1  }
0xc2: {  	_ =	sfence.sel $0xFFFF  }
0xc3: {  	[dreg:$0x0] =	wrdreg $0xFFFFFFFF;
	(pc) =	sbr.abs _section_cstart, $3  }
0xc4: {  	[dreg:$0x1] =	wrdreg $0xFFFFFFFF  }
0xc5: {  	_ =	task.clear_ibuf [dreg:s9], $0x2FFFF;
	_ =	strace $0x9FFFFFFF  }
0xc6: {  	(tm) =	ssettm $0x7FFFFFFF  }
0xc7: {  	_ =	shalt  }
tec
execute0_lowered:
.L_overlay_start_1:
0x0: {  	(tag) =	ssettag $0x1  }
0x1: {  	s0 =	rddreg [dreg:$0x0]  }
0x2: {  	s2 =	rddreg [dreg:$0x1]  }
0x3: {  	s5 =	rddreg [dreg:$0x2]  }
0x4: {  	s8 =	rddreg [dreg:$0x3];
	s1 =	simm.s32 $0x0  }
0x5: {  	s6 =	srdreg.scid;
	s9 =	stileid.u32;
	s12 =	simm.s32 $0x80  }
0x6: {  	s14 =	simm.s32 $0x800;
	s16 =	simm.s32 $0x1800;
	s18 =	simm.s32 $0xC00  }
0x7: {  	s19 =	simm.s32 $0x680;
	s20 =	simm.s32 $0x1C00;
	s21 =	simm.s32 $0x500  }
0x8: {  	s22 =	simm.s32 $0x1000;
	s23 =	simm.s32 $0x700;
	s24 =	simm.s32 $0x2000  }
0x9: {  	s25 =	simm.s32 $0x580;
	s26 =	simm.s32 $0x1400;
	s28 =	simm.s32 $0x780  }
0xa: {  	s29 =	simm.s32 $0x2400;
	s30 =	simm.s32 $0x1;
	s31 =	simm.s32 $0x2810  }
0xb: {  	[smem:$0x7FF] =	sst s1;
	s3 =	sadd.s32 $0x3E00, s5;
	s6 =	sand.u32 $0x1, s6  }
0xc: {  	s4 =	sadd.s32 $0xC00, s5;
	s9 =	sshll.u32 s9, $0x7;
	s7 =	ssub.s32 $0x2, s6  }
0xd: {  	s5 =	sadd.s32 $0x22800, s5;
	s6 =	sshll.u32 s6, $0x6;
	s10 =	sshrl.u32 s7, $0x1  }
0xe: {  	_ =	strace $0x80000047;
	s9 =	sor.u32 s6, s9;
	s10 =	ssub.s32 s7, s10  }
0xf: {  	v0 =	vlaneseq.u32;
	s6 =	sadd.s32 s0, s9;
	s7 =	sadd.s32 s2, s9;
	s8 =	sadd.s32 s8, s9  }
0x10: {  	v0 =	vmul.u32 $0x8, v0;
	s0 =	simm.s32 $0x0;
	s9 =	smax.u32 s10, $0x1;
	s10 =	simm.s32 $0x2  }
.LBB2_1:
0x11: {  	[tilespmem:s1], [sflag:$0x2] =	stream.linear.gather [hbm4b:s6+s1], $0x200, $0x38;
	[tilespmem:$0x2A10] =	vst v63  }
0x12: {  	_ =	swait.ge [sflag:s10], $0x200  }
0x13: {  	[sflag:s10] =	ssyncset.done $0x0  }
0x14: {  	s2 =	simm.s32 $0x200;
	[sflag:s10] =	ssyncadd.s32 $0xFFFFFE00  }
0x15: {  	[tilespmem:s2], [sflag:$0x2] =	stream.linear.gather [hbm4b:s7+s1], $0x200, $0x38;
	[tilespmem:$0x2A10] =	vst v63  }
0x16: {  	_ =	swait.ge [sflag:s10], $0x200  }
0x17: {  	[sflag:s10] =	ssyncset.done $0x0  }
0x18: {  	s11 =	simm.s32 $0x2800;
	[sflag:s10] =	ssyncadd.s32 $0xFFFFFE00  }
0x19: {  	[tilespmem:s11], [sflag:$0x2] =	stream.linear.gather [hbm4b:s5+s1], $0x10, $0x38;
	[tilespmem:$0x2A10] =	vst v63  }
0x1a: {  	_ =	swait.ge [sflag:s10], $0x10  }
0x1b: {  	[sflag:s10] =	ssyncset.done $0x0  }
0x1c: {  	[sflag:s10] =	ssyncadd.s32 $0xFFFFFFF0  }
0x1d: {  	v1 =	vld [tilespmem:$0x0]  }
0x1e: {  	v2 =	vld [tilespmem:$0x200]  }
0x1f: {  	v3 =	vld [tilespmem:$0x10]  }
0x20: {  	v4 =	vld [tilespmem:$0x210]  }
0x21: {  	v5 =	vld [tilespmem:$0x20]  }
0x22: {  	v6 =	vld [tilespmem:$0x220];
	v1 =	vshra.s32 v1, $0x3  }
0x23: {  	[tilespmem:$0x400] =	vst v1;
	v1 =	vshra.s32 v2, $0x3;
	v2 =	vld [tilespmem:$0x30]  }
0x24: {  	[tilespmem:$0x600] =	vst v1;
	v1 =	vshra.s32 v3, $0x3;
	v3 =	vld [tilespmem:$0x230]  }
0x25: {  	[tilespmem:$0x410] =	vst v1;
	v1 =	vshra.s32 v4, $0x3;
	v4 =	vld [tilespmem:$0x40]  }
0x26: {  	[tilespmem:$0x610] =	vst v1;
	v1 =	vshra.s32 v5, $0x3;
	v5 =	vld [tilespmem:$0x240]  }
0x27: {  	v53 =	vld [tilespmem:$0x50];
	[tilespmem:$0x420] =	vst v1;
	v1 =	vshra.s32 v6, $0x3  }
0x28: {  	[tilespmem:$0x620] =	vst v1;
	v1 =	vshra.s32 v2, $0x3;
	v2 =	vld [tilespmem:$0x250]  }
0x29: {  	[tilespmem:$0x430] =	vst v1;
	v1 =	vshra.s32 v3, $0x3;
	v3 =	vld [tilespmem:$0x60]  }
0x2a: {  	[tilespmem:$0x630] =	vst v1;
	v1 =	vshra.s32 v4, $0x3;
	v4 =	vld [tilespmem:$0x260]  }
0x2b: {  	[tilespmem:$0x440] =	vst v1;
	v1 =	vshra.s32 v5, $0x3;
	v5 =	vld [tilespmem:$0x70]  }
0x2c: {  	v54 =	vld [tilespmem:$0x270];
	[tilespmem:$0x640] =	vst v1;
	v1 =	vshra.s32 v53, $0x3  }
0x2d: {  	[tilespmem:$0x450] =	vst v1;
	v1 =	vshra.s32 v2, $0x3;
	v2 =	vld [tilespmem:$0x80]  }
0x2e: {  	[tilespmem:$0x650] =	vst v1;
	v1 =	vshra.s32 v3, $0x3;
	v3 =	vld [tilespmem:$0x280]  }
0x2f: {  	[tilespmem:$0x460] =	vst v1;
	v1 =	vshra.s32 v4, $0x3;
	v4 =	vld [tilespmem:$0x90]  }
0x30: {  	[tilespmem:$0x660] =	vst v1;
	v1 =	vshra.s32 v5, $0x3;
	v5 =	vld [tilespmem:$0x290]  }
0x31: {  	v55 =	vld [tilespmem:$0xA0];
	[tilespmem:$0x470] =	vst v1;
	v1 =	vshra.s32 v54, $0x3  }
0x32: {  	[tilespmem:$0x670] =	vst v1;
	v1 =	vshra.s32 v2, $0x3;
	v2 =	vld [tilespmem:$0x2A0]  }
0x33: {  	[tilespmem:$0x480] =	vst v1;
	v1 =	vshra.s32 v3, $0x3;
	v3 =	vld [tilespmem:$0xB0]  }
0x34: {  	[tilespmem:$0x680] =	vst v1;
	v1 =	vshra.s32 v4, $0x3;
	v4 =	vld [tilespmem:$0x2B0]  }
0x35: {  	[tilespmem:$0x490] =	vst v1;
	v1 =	vshra.s32 v5, $0x3;
	v5 =	vld [tilespmem:$0xC0]  }
0x36: {  	v56 =	vld [tilespmem:$0x2C0];
	[tilespmem:$0x690] =	vst v1;
	v1 =	vshra.s32 v55, $0x3  }
0x37: {  	[tilespmem:$0x4A0] =	vst v1;
	v1 =	vshra.s32 v2, $0x3;
	v2 =	vld [tilespmem:$0xD0]  }
0x38: {  	[tilespmem:$0x6A0] =	vst v1;
	v1 =	vshra.s32 v3, $0x3;
	v3 =	vld [tilespmem:$0x2D0]  }
0x39: {  	[tilespmem:$0x4B0] =	vst v1;
	v1 =	vshra.s32 v4, $0x3;
	v4 =	vld [tilespmem:$0xE0]  }
0x3a: {  	[tilespmem:$0x6B0] =	vst v1;
	v1 =	vshra.s32 v5, $0x3;
	v5 =	vld [tilespmem:$0x2E0]  }
0x3b: {  	v57 =	vld [tilespmem:$0xF0];
	[tilespmem:$0x4C0] =	vst v1;
	v1 =	vshra.s32 v56, $0x3  }
0x3c: {  	[tilespmem:$0x6C0] =	vst v1;
	v1 =	vshra.s32 v2, $0x3;
	v2 =	vld [tilespmem:$0x2F0]  }
0x3d: {  	[tilespmem:$0x4D0] =	vst v1;
	v1 =	vshra.s32 v3, $0x3;
	v3 =	vld [tilespmem:$0x100]  }
0x3e: {  	[tilespmem:$0x6D0] =	vst v1;
	v1 =	vshra.s32 v4, $0x3;
	v4 =	vld [tilespmem:$0x300]  }
0x3f: {  	[tilespmem:$0x4E0] =	vst v1;
	v1 =	vshra.s32 v5, $0x3;
	v5 =	vld [tilespmem:$0x110]  }
0x40: {  	v58 =	vld [tilespmem:$0x310];
	[tilespmem:$0x6E0] =	vst v1;
	v1 =	vshra.s32 v57, $0x3  }
0x41: {  	[tilespmem:$0x4F0] =	vst v1;
	v1 =	vshra.s32 v2, $0x3;
	v2 =	vld [tilespmem:$0x120]  }
0x42: {  	[tilespmem:$0x6F0] =	vst v1;
	v1 =	vshra.s32 v3, $0x3;
	v3 =	vld [tilespmem:$0x320]  }
0x43: {  	[tilespmem:$0x500] =	vst v1;
	v1 =	vshra.s32 v4, $0x3;
	v4 =	vld [tilespmem:$0x130]  }
0x44: {  	[tilespmem:$0x700] =	vst v1;
	v1 =	vshra.s32 v5, $0x3;
	v5 =	vld [tilespmem:$0x330]  }
0x45: {  	v59 =	vld [tilespmem:$0x140];
	[tilespmem:$0x510] =	vst v1;
	v1 =	vshra.s32 v58, $0x3  }
0x46: {  	[tilespmem:$0x710] =	vst v1;
	v1 =	vshra.s32 v2, $0x3;
	v2 =	vld [tilespmem:$0x340]  }
0x47: {  	[tilespmem:$0x520] =	vst v1;
	v1 =	vshra.s32 v3, $0x3;
	v3 =	vld [tilespmem:$0x150]  }
0x48: {  	[tilespmem:$0x720] =	vst v1;
	v1 =	vshra.s32 v4, $0x3;
	v4 =	vld [tilespmem:$0x350]  }
0x49: {  	[tilespmem:$0x530] =	vst v1;
	v1 =	vshra.s32 v5, $0x3;
	v5 =	vld [tilespmem:$0x160]  }
0x4a: {  	v60 =	vld [tilespmem:$0x360];
	[tilespmem:$0x730] =	vst v1;
	v1 =	vshra.s32 v59, $0x3  }
0x4b: {  	[tilespmem:$0x540] =	vst v1;
	v1 =	vshra.s32 v2, $0x3;
	v2 =	vld [tilespmem:$0x170]  }
0x4c: {  	[tilespmem:$0x740] =	vst v1;
	v1 =	vshra.s32 v3, $0x3;
	v3 =	vld [tilespmem:$0x370]  }
0x4d: {  	[tilespmem:$0x550] =	vst v1;
	v1 =	vshra.s32 v4, $0x3;
	v4 =	vld [tilespmem:$0x180]  }
0x4e: {  	[tilespmem:$0x750] =	vst v1;
	v1 =	vshra.s32 v5, $0x3;
	v5 =	vld [tilespmem:$0x380]  }
0x4f: {  	v61 =	vld [tilespmem:$0x190];
	[tilespmem:$0x560] =	vst v1;
	v1 =	vshra.s32 v60, $0x3  }
0x50: {  	[tilespmem:$0x760] =	vst v1;
	v1 =	vshra.s32 v2, $0x3;
	v2 =	vld [tilespmem:$0x390]  }
0x51: {  	[tilespmem:$0x570] =	vst v1;
	v1 =	vshra.s32 v3, $0x3;
	v3 =	vld [tilespmem:$0x1A0]  }
0x52: {  	[tilespmem:$0x770] =	vst v1;
	v1 =	vshra.s32 v4, $0x3;
	v4 =	vld [tilespmem:$0x3A0]  }
0x53: {  	[tilespmem:$0x580] =	vst v1;
	v1 =	vshra.s32 v5, $0x3;
	v5 =	vld [tilespmem:$0x1B0]  }
0x54: {  	v62 =	vld [tilespmem:$0x3B0];
	[tilespmem:$0x780] =	vst v1;
	v1 =	vshra.s32 v61, $0x3  }
0x55: {  	[tilespmem:$0x590] =	vst v1;
	v1 =	vshra.s32 v2, $0x3;
	v2 =	vld [tilespmem:$0x1C0]  }
0x56: {  	[tilespmem:$0x790] =	vst v1;
	v1 =	vshra.s32 v3, $0x3;
	v3 =	vld [tilespmem:$0x3C0]  }
0x57: {  	[tilespmem:$0x5A0] =	vst v1;
	v1 =	vshra.s32 v4, $0x3;
	v4 =	vld [tilespmem:$0x1D0]  }
0x58: {  	[tilespmem:$0x7A0] =	vst v1;
	v1 =	vshra.s32 v5, $0x3;
	v5 =	vld [tilespmem:$0x3D0]  }
0x59: {  	v63 =	vld [tilespmem:$0x1E0];
	[tilespmem:$0x5B0] =	vst v1;
	v1 =	vshra.s32 v62, $0x3  }
0x5a: {  	[tilespmem:$0x7B0] =	vst v1;
	v1 =	vshra.s32 v2, $0x3;
	v2 =	vld [tilespmem:$0x3E0]  }
0x5b: {  	[tilespmem:$0x5C0] =	vst v1;
	v1 =	vshra.s32 v3, $0x3;
	v3 =	vld [tilespmem:$0x1F0]  }
0x5c: {  	[tilespmem:$0x7C0] =	vst v1;
	v1 =	vshra.s32 v4, $0x3;
	v4 =	vld [tilespmem:$0x3F0]  }
0x5d: {  	[tilespmem:$0x5D0] =	vst v1;
	v1 =	vshra.s32 v5, $0x3  }
0x5e: {  	[tilespmem:$0x7D0] =	vst v1;
	v1 =	vshra.s32 v63, $0x3  }
0x5f: {  	[tilespmem:$0x5E0] =	vst v1;
	v1 =	vshra.s32 v2, $0x3  }
0x60: {  	[tilespmem:$0x7E0] =	vst v1;
	v1 =	vshra.s32 v3, $0x3  }
0x61: {  	[tilespmem:$0x5F0] =	vst v1;
	v1 =	vshra.s32 v4, $0x3  }
0x62: {  	s13 =	simm.s32 $0x400;
	[tilespmem:$0x7F0] =	vst v1  }
0x63: {  	[tilespmem:s14], [sflag:$0x1] =	stream.indirect.gather [hbm4b:s3+s12], $0x8, s13, s12, $0xb8;
	[tilespmem:$0x2A10] =	vst v63  }
0x64: {  	s15 =	simm.s32 $0x600  }
0x65: {  	[tilespmem:s16], [sflag:$0x1] =	stream.indirect.gather [hbm4b:s4+s12], $0x8, s15, s12, $0xb8;
	[tilespmem:$0x2A10] =	vst v63  }
0x66: {  	s17 =	simm.s32 $0x480  }
0x67: {  	[tilespmem:s18], [sflag:$0x1] =	stream.indirect.gather [hbm4b:s3+s12], $0x8, s17, s12, $0xb8;
	[tilespmem:$0x2A10] =	vst v63  }
0x68: {  	_ = 	snop  }
0x69: {  	[tilespmem:s20], [sflag:$0x1] =	stream.indirect.gather [hbm4b:s4+s12], $0x8, s19, s12, $0xb8;
	[tilespmem:$0x2A10] =	vst v63  }
0x6a: {  	_ = 	snop  }
0x6b: {  	[tilespmem:s22], [sflag:$0x1] =	stream.indirect.gather [hbm4b:s3+s12], $0x8, s21, s12, $0xb8;
	[tilespmem:$0x2A10] =	vst v63  }
0x6c: {  	_ = 	snop  }
0x6d: {  	[tilespmem:s24], [sflag:$0x1] =	stream.indirect.gather [hbm4b:s4+s12], $0x8, s23, s12, $0xb8;
	[tilespmem:$0x2A10] =	vst v63  }
0x6e: {  	_ = 	snop  }
0x6f: {  	[tilespmem:s26], [sflag:$0x1] =	stream.indirect.gather [hbm4b:s3+s12], $0x8, s25, s12, $0xb8;
	[tilespmem:$0x2A10] =	vst v63  }
0x70: {  	_ = 	snop  }
0x71: {  	[tilespmem:s29], [sflag:$0x1] =	stream.indirect.gather [hbm4b:s4+s12], $0x8, s28, s12, $0xb8;
	[tilespmem:$0x2A10] =	vst v63  }
0x72: {  	_ =	swait.ge [sflag:s30], $0x400  }
0x73: {  	[sflag:s30] =	ssyncset.done $0x0  }
0x74: {  	[sflag:s30] =	ssyncadd.s32 $0xFFFFFC00  }
0x75: {  	_ =	swait.ge [sflag:s30], $0x400  }
0x76: {  	[sflag:s30] =	ssyncset.done $0x0  }
0x77: {  	[sflag:s30] =	ssyncadd.s32 $0xFFFFFC00  }
0x78: {  	_ =	swait.ge [sflag:s30], $0x400  }
0x79: {  	[sflag:s30] =	ssyncset.done $0x0  }
0x7a: {  	[sflag:s30] =	ssyncadd.s32 $0xFFFFFC00  }
0x7b: {  	_ =	swait.ge [sflag:s30], $0x400  }
0x7c: {  	[sflag:s30] =	ssyncset.done $0x0  }
0x7d: {  	[sflag:s30] =	ssyncadd.s32 $0xFFFFFC00  }
0x7e: {  	_ =	swait.ge [sflag:s30], $0x400  }
0x7f: {  	[sflag:s30] =	ssyncset.done $0x0  }
0x80: {  	[sflag:s30] =	ssyncadd.s32 $0xFFFFFC00  }
0x81: {  	_ =	swait.ge [sflag:s30], $0x400  }
0x82: {  	[sflag:s30] =	ssyncset.done $0x0  }
0x83: {  	[sflag:s30] =	ssyncadd.s32 $0xFFFFFC00  }
0x84: {  	_ =	swait.ge [sflag:s30], $0x400  }
0x85: {  	[sflag:s30] =	ssyncset.done $0x0  }
0x86: {  	[sflag:s30] =	ssyncadd.s32 $0xFFFFFC00  }
0x87: {  	_ =	swait.ge [sflag:s30], $0x400  }
0x88: {  	[sflag:s30] =	ssyncset.done $0x0  }
0x89: {  	[sflag:s30] =	ssyncadd.s32 $0xFFFFFC00  }
0x8a: {  	v1 =	vld [tilespmem:s1+$0x0]  }
0x8b: {  	v2 =	vld [tilespmem:s2+$0x0];
	_ =	sdelay $0x1  }
0x8c: {  	v3 =	vmov s1  }
0x8d: {  	v3 =	vshll.u32 v3, $0x3  }
0x8e: {  	v3 =	vor.u32 v0, v3;
	v1 =	vand.u32 $0x7, v1  }
0x8f: {  	v2 =	vand.u32 $0x7, v2;
	v1 =	vor.u32 v3, v1  }
0x90: {  	v2 =	vor.u32 v3, v2;
	_ =	sdelay $0x3  }
0x91: {  	v3 =	vld.idx.msk [tilespmem:v1+s14+$0x0], $0xffff  }
0x92: {  	v2 =	vld.idx.msk [tilespmem:v2+s16+$0x0], $0xffff;
	_ =	sdelay $0x1  }
0x93: {  	v1 =	vld [tilespmem:$0x2800];
	_ =	sdelay $0x2  }
0x94: {  	v2 =	vadd.f32 v2, v3;
	_ =	sdelay $0x1  }
0x95: {  	v2 =	vadd.f32 v2, v1;
	_ =	sdelay $0x1  }
0x96: {  	s11 =	simm.s32 $0x10;
	[tilespmem:s31+$0x0] =	vst v2  }
0x97: {  	s13 =	simm.s32 $0x210;
	v2 =	vld [tilespmem:s11+$0x0]  }
0x98: {  	s15 =	simm.s32 $0x20;
	s17 =	simm.s32 $0x10;
	s2 =	simm.s32 $0x2810;
	v3 =	vld [tilespmem:s13+$0x0]  }
.LBB2_2:
0x99: {  	p0 =	sne.s32 s15, $0x1F0  }
0x9a: {  	v4 =	vmov s11;
	s11 =	smov.u32 s15  }
0x9b: {  	v4 =	vshll.u32 v4, $0x3  }
0x9c: {  	v4 =	vor.u32 v0, v4;
	v2 =	vand.u32 $0x7, v2  }
0x9d: {  	v3 =	vand.u32 $0x7, v3;
	v2 =	vor.u32 v4, v2  }
0x9e: {  	v3 =	vor.u32 v4, v3;
	_ =	sdelay $0x3  }
0x9f: {  	v2 =	vld.idx.msk [tilespmem:v2+s14+$0x0], $0xffff  }
0xa0: {  	v3 =	vld.idx.msk [tilespmem:v3+s16+$0x0], $0xffff;
	_ =	sdelay $0x5  }
0xa1: {  	v2 =	vadd.f32 v3, v2;
	_ =	sdelay $0x1  }
.Ltmp0:
0xa2: {  	v2 =	vadd.f32 v2, v1;
	(pc) =	sbr.rel @p0 .LBB2_2-.Ltmp0, $4  }
0xa3: {  	s2 =	sadd.s32 $0x10, s2  }
0xa4: {  	s17 =	sadd.s32 $0x10, s17;
	[tilespmem:s2+$0x0] =	vst v2  }
0xa5: {  	s13 =	sadd.s32 $0x10, s13;
	v2 =	vld [tilespmem:s17+$0x0]  }
0xa6: {  	s15 =	sadd.s32 $0x10, s15;
	v3 =	vld [tilespmem:s13+$0x0]  }
0xa7: {  	_ = 	snop  }
0xa8: {  	v4 =	vmov s11  }
0xa9: {  	v4 =	vshll.u32 v4, $0x3  }
0xaa: {  	v4 =	vor.u32 v0, v4;
	v2 =	vand.u32 $0x7, v2  }
0xab: {  	v3 =	vand.u32 $0x7, v3;
	v2 =	vor.u32 v4, v2  }
0xac: {  	v3 =	vor.u32 v4, v3;
	_ =	sdelay $0x3  }
0xad: {  	v2 =	vld.idx.msk [tilespmem:v2+s14+$0x0], $0xffff  }
0xae: {  	v3 =	vld.idx.msk [tilespmem:v3+s16+$0x0], $0xffff;
	_ =	sdelay $0x4  }
0xaf: {  	v2 =	vadd.f32 v3, v2;
	_ =	sdelay $0x1  }
0xb0: {  	s0 =	sadd.s32 $0x1, s0;
	v1 =	vadd.f32 v2, v1  }
0xb1: {  	s2 =	sadd.s32 $0x10, s2;
	p0 =	sne.s32 s0, s9  }
.Ltmp1:
0xb2: {  	[tilespmem:s2+$0x0] =	vst v1;
	(pc) =	sbr.rel @p0 .LBB2_1-.Ltmp1, $4  }
0xb3: {  	[hbm4b:s8+s1] =	stream.linear.scatter [tilespmem:s31], [sflag:$0x2], $0x200, $0x38;
	[tilespmem:$0x2A10] =	vst v63  }
0xb4: {  	_ =	swait.ge [sflag:s10], $0x200  }
0xb5: {  	[sflag:s10] =	ssyncset.done $0x0  }
0xb6: {  	[sflag:s10] =	ssyncadd.s32 $0xFFFFFE00  }
0xb7: {  	_ =	sfence.sel $0x180000  }
0xb8: {  	[bflag:$0x0] =	sbarrier.arrive $0xFFFF  }
0xb9: {  	_ =	strace $0x90000047  }
0xba: {  	s0 =	stileid.u32;
	[bflag:$0x2] =	sbarrier.arrive $0xFFFF  }
0xbb: {  	p0 =	sne.s32 s0, $0x0;
	s0 =	rddreg [dreg:$0x4]  }
0xbc: {  	s0 =	sadd.s32 @!p0 $0x100000, s0  }
0xbd: {  	[sflag:s0] =	ssyncadd.tile.s32 @!p0 $0x1;
	_ =	shalt  }
.Lfunc_end2:
_tile_overlayer_lowered:
.L_overlay_start_2:
0xbe: {  	(tag) =	ssettag $0x2  }
0xbf: {  	s0 =	rddreg [dreg:$0x0];
	s2 =	stileid.u32  }
0xc0: {  	s1 =	rddreg [dreg:$0x1];
	p0 =	sne.s32 s2, $0x0  }
0xc1: {  	s3 =	rddreg [dreg:$0x2];
	[bflag:$0x3] =	sbarrier.arrive $0xFFFF;
	s2 =	simm.s32 @!p0 $0x1C02  }
0xc2: {  	[timem:s3], [sflag:s2] =	dma.local @!p0 [hbm:s0], s1  }
0xc3: {  	s0 =	simm.s32 @!p0 $0x2  }
0xc4: {  	_ =	swait.ge @!p0 [sflag:s0], s1  }
0xc5: {  	s1 =	ssub.s32 @!p0 $0x0, s1;
	[sflag:s0] =	ssyncset.done @!p0 $0x0  }
0xc6: {  	[sflag:s0] =	ssyncadd.s32 @!p0 s1  }
0xc7: {  	[bflag:$0x3] =	sbarrier.arrive $0xFFFF  }
0xc8: {  	_ =	shalt  }

</sc_bundles>
